<compile_context>
chip_gen: v7x
topology: tpu7x:2x2x1
jax: 0.10.2.dev20260603
libtpu: 0.0.44.dev20260713+nightly
codegen_flags: <defaults>
</compile_context>

<pallas_src>
import jax
import jax.numpy as jnp
from jax import lax
from jax.experimental import pallas as pl
from jax.experimental.pallas import tpu as pltpu
from jax.experimental.pallas import tpu_sc as plsc

E = 8
TOPK = 2
D = 768
DFF = 3072
R = 4
N = 4096

NB = 512
KPAD = 128

_DN_T = (((1,), (1,)), ((), ()))

_NC = 2
_NS = 16
_LANES = 16
_CH = N // (_NC * _NS)



def _logits_kernel(x_ref, gw_ref, gb_ref, out_ref, xb_ref):
    x = x_ref[...]
    out_ref[...] = lax.dot_general(
        gw_ref[...], x, _DN_T,
        preferred_element_type=jnp.float32) + gb_ref[...]
    xb_ref[...] = x.astype(jnp.bfloat16)



def _sc_router(logt_ref, rt_ref, buf, e1b, e2b, wb):
    f32 = jnp.float32
    wid = lax.axis_index("s") * _NC + lax.axis_index("c")
    base = wid * _CH
    pltpu.sync_copy(logt_ref.at[:, pl.ds(base, _CH)], buf)
    for j in range(_CH // _LANES):
        sl = pl.ds(j * _LANES, _LANES)
        les = [buf[e, sl] for e in range(E)]
        v1 = les[0]
        e1v = jnp.zeros((_LANES,), f32)
        v2 = jnp.full((_LANES,), -3e38, f32)
        e2v = jnp.zeros((_LANES,), f32)
        for e in range(1, E):
            le = les[e]
            ev = jnp.full((_LANES,), float(e), f32)
            gt1 = le > v1
            gt2 = le > v2
            e2v = jnp.where(gt1, e1v, jnp.where(gt2, ev, e2v))
            v2 = jnp.where(gt1, v1, jnp.where(gt2, le, v2))
            e1v = jnp.where(gt1, ev, e1v)
            v1 = jnp.where(gt1, le, v1)
        denom = jnp.exp(les[0] - v1)
        for e in range(1, E):
            denom = denom + jnp.exp(les[e] - v1)
        w = (1.0 + jnp.exp(v2 - v1)) / denom
        e1b[0, sl] = e1v
        e2b[0, sl] = e2v
        wb[0, sl] = w
    pltpu.sync_copy(e1b, rt_ref.at[pl.ds(0, 1), pl.ds(base, _CH)])
    pltpu.sync_copy(e2b, rt_ref.at[pl.ds(1, 1), pl.ds(base, _CH)])
    pltpu.sync_copy(wb, rt_ref.at[pl.ds(2, 1), pl.ds(base, _CH)])



def _ffn_kernel(x_ref, rt_ref, wi_ref, wo_ref, bo_ref,
                aT_ref, bflat_ref, out_ref, wib_ref, wob_ref):
    f32 = jnp.float32
    bf16 = jnp.bfloat16

    @pl.when(pl.program_id(0) == 0)
    def _cast_weights():
        wib_ref[...] = wi_ref[...].astype(bf16)
        wob_ref[...] = wo_ref[...].astype(bf16)

    xb = x_ref[...]
    rt = jnp.transpose(
        rt_ref[:, pl.ds(pl.program_id(0) * NB, NB)])
    e1 = rt[:, 0:1]
    e2 = rt[:, 1:2]
    w = rt[:, 2:3]

    U = jnp.dot(xb, aT_ref[...], preferred_element_type=f32)
    col = lax.broadcasted_iota(jnp.int32, (NB, KPAD), 1)
    ecol = (col // R).astype(f32)
    Ub = jnp.where(col == E * R, 1.0, U)
    keep1 = (ecol == e1) | (col == E * R)
    keep2 = (ecol == e2) | (col == E * R)
    S1 = jnp.where(keep1, Ub, 0.0).astype(bf16)
    S2 = jnp.where(keep2, Ub, 0.0).astype(bf16)
    S = jnp.concatenate([S1, S2], axis=0)

    L = jnp.dot(S, bflat_ref[...], preferred_element_type=f32)
    base = lax.dot_general(xb, wib_ref[...], _DN_T, preferred_element_type=f32)
    hsum = (jnp.maximum(base + L[:NB], 0) +
            jnp.maximum(base + L[NB:], 0)).astype(bf16)
    dn = lax.dot_general(hsum, wob_ref[...], _DN_T, preferred_element_type=f32)
    out_ref[...] = w * (dn + 2.0 * bo_ref[...])


def kernel(hidden_states, gate_W, gate_b, Wi, bi, Wo, bo, A, Bm):
    f32 = jnp.float32
    bf16 = jnp.bfloat16
    x = hidden_states.astype(f32)
    aT = jnp.pad(A.reshape(E * R, D).T,
                 ((0, 0), (0, KPAD - E * R))).astype(bf16)
    bflat = jnp.pad(
        jnp.concatenate([jnp.transpose(Bm, (0, 2, 1)).reshape(E * R, DFF),
                         bi[None, :]], axis=0),
        ((0, KPAD - E * R - 1), (0, 0))).astype(bf16)

    logt, xb = pl.pallas_call(
        _logits_kernel,
        out_shape=(jax.ShapeDtypeStruct((E, N), f32),
                   jax.ShapeDtypeStruct((N, D), bf16)),
    )(x, gate_W, gate_b[:, None])

    mesh = plsc.VectorSubcoreMesh(core_axis_name="c", subcore_axis_name="s")
    rt = pl.kernel(
        _sc_router,
        out_type=jax.ShapeDtypeStruct((3, N), f32),
        mesh=mesh,
        scratch_types=[
            pltpu.VMEM((E, _CH), f32),
            pltpu.VMEM((1, _CH), f32),
            pltpu.VMEM((1, _CH), f32),
            pltpu.VMEM((1, _CH), f32),
        ],
    )(logt)

    out = pl.pallas_call(
        _ffn_kernel,
        grid=(N // NB,),
        in_specs=[
            pl.BlockSpec((NB, D), lambda i: (i, 0)),
            pl.BlockSpec((3, N), lambda i: (0, 0)),
            pl.BlockSpec((DFF, D), lambda i: (0, 0)),
            pl.BlockSpec((D, DFF), lambda i: (0, 0)),
            pl.BlockSpec((1, D), lambda i: (0, 0)),
            pl.BlockSpec((D, KPAD), lambda i: (0, 0)),
            pl.BlockSpec((KPAD, DFF), lambda i: (0, 0)),
        ],
        out_specs=pl.BlockSpec((NB, D), lambda i: (i, 0)),
        out_shape=jax.ShapeDtypeStruct((N, D), f32),
        scratch_shapes=[
            pltpu.VMEM((DFF, D), bf16),
            pltpu.VMEM((D, DFF), bf16),
        ],
    )(xb, rt, Wi, Wo, bo[None, :], aT, bflat)
    return out

# --- scband reference (transcript-rebuilt; emitter-appended) ---
"""Pipeline reference for scband-mo-eblock-5592047420171 (READ-ONLY COPY).

The authoritative reference and input builder live on the scoring server;
editing this copy changes nothing except your own understanding.
"""

import jax, jax.numpy as jnp
import numpy as np

E = 8
TOPK = 2
D = 768
DFF = 3072
R = 4
N = 4096


def setup_inputs(seed: int = 0) -> dict:
    key = jax.random.key(seed)
    ks = jax.random.split(key, 8)
    hidden_states = jax.random.normal(ks[0], (N, D), dtype=jnp.float32)
    gate_W = jax.random.normal(ks[1], (E, D), dtype=jnp.float32) * 0.02
    gate_b = jnp.zeros((E,), dtype=jnp.float32)
    Wi = jax.random.normal(ks[2], (DFF, D), dtype=jnp.float32) * 0.02
    bi = jnp.zeros((DFF,), dtype=jnp.float32)
    Wo = jax.random.normal(ks[3], (D, DFF), dtype=jnp.float32) * 0.02
    bo = jnp.zeros((D,), dtype=jnp.float32)
    # per-expert LoRA params (one task): A: [E, R, D], B: [E, DFF, R]
    A = jax.random.normal(ks[4], (E, R, D), dtype=jnp.float32) * 0.02
    Bm = jax.random.normal(ks[5], (E, DFF, R), dtype=jnp.float32) * 0.02
    return {
        'hidden_states': hidden_states,
        'gate_W': gate_W,
        'gate_b': gate_b,
        'Wi': Wi,
        'bi': bi,
        'Wo': Wo,
        'bo': bo,
        'A': A,
        'Bm': Bm,
    }


def reference(hidden_states, gate_W, gate_b, Wi, bi, Wo, bo, A, Bm):
    # Router
    logits = hidden_states @ gate_W.T + gate_b
    scores = jax.nn.softmax(logits, axis=-1)
    top_k_values, top_k_indices = jax.lax.top_k(scores, TOPK)
    vals_sum = jnp.sum(top_k_values, axis=-1, keepdims=True)  # [N, 1]
    outputs = jnp.zeros_like(hidden_states)
    for i in range(E):
        # mask: count of times expert i appears in top-k, scaled by sum of top-k probs
        mask = jnp.sum((top_k_indices == i).astype(jnp.float32), axis=-1, keepdims=True) * vals_sum
        # LoRALayer forward: wi(x) + x @ A.T @ B.T, then act (relu for T5 DenseReluDense), then wo
        intermediate = hidden_states @ Wi.T + bi
        lora_output = (hidden_states @ A[i].T) @ Bm[i].T
        intermediate = intermediate + lora_output
        expert_output = jax.nn.relu(intermediate) @ Wo.T + bo
        outputs = outputs + mask * expert_output
    return outputs

if __name__ == "__main__":
    import jax
    _d = setup_inputs()
    print(jax.jit(kernel)(*tuple(_d.values())))

</pallas_src>

<mosaic_0001>
#map = affine_map<(d0, d1) -> (0, 0)>
module attributes {stable_mosaic.version = 14 : i64} {
  func.func @_sc_router(%arg0: i32, %arg1: i32, %arg2: memref<8x4096xf32, #tpu.memory_space<hbm>>, %arg3: memref<3x4096xf32, #tpu.memory_space<hbm>>, %arg4: memref<8x128xf32, #tpu.memory_space<vmem>>, %arg5: memref<1x128xf32, #tpu.memory_space<vmem>>, %arg6: memref<1x128xf32, #tpu.memory_space<vmem>>, %arg7: memref<1x128xf32, #tpu.memory_space<vmem>>) attributes {dimension_semantics = [#tpu.dimension_semantics<core_parallel>, #tpu.dimension_semantics<subcore_parallel>], iteration_bounds = array<i64: 2, 16>, scalar_prefetch = 0 : i64, scratch_operands = 4 : i64, tpu.core_type = #tpu.core_type<sc_vector_subcore>, window_params = [{transform_indices = #map}, {transform_indices = #map}]} {
    %mul3A = arith.constant 2 : i32
    %mul3A_0 = arith.muli %arg1, %mul3A : i32
    %add3A = arith.addi %mul3A_0, %arg0 : i32
    %mul3A_1 = arith.constant 128 : i32
    %mul3A_2 = arith.muli %add3A, %mul3A_1 : i32
    "tpu.region"() ({
      %run_scoped3A = tpu.sem_alloc : memref<!tpu.dma_semaphore, #tpu.memory_space<semaphore_mem>>
      %dma_start3A = arith.constant 0 : i32
      %dma_start3A_1299 = tpu.memref_slice %arg2[%dma_start3A, %mul3A_2] : memref<8x4096xf32, #tpu.memory_space<hbm>> -> memref<8x128xf32, #tpu.memory_space<hbm>>
      %dma_start3A_1300 = arith.constant 0 : i32
      %dma_start3A_1301 = tpu.memref_slice %arg2[%dma_start3A_1300, %mul3A_2] : memref<8x4096xf32, #tpu.memory_space<hbm>> -> memref<8x128xf32, #tpu.memory_space<hbm>>
      tpu.enqueue_dma source(%dma_start3A_1301 : memref<8x128xf32, #tpu.memory_space<hbm>>) target(%arg4 : memref<8x128xf32, #tpu.memory_space<vmem>>) target_semaphore(%run_scoped3A : memref<!tpu.dma_semaphore, #tpu.memory_space<semaphore_mem>>)
      %dma_wait3A = arith.constant 0 : i32
      %dma_wait3A_1302 = tpu.memref_slice %arg2[%dma_wait3A, %mul3A_2] : memref<8x4096xf32, #tpu.memory_space<hbm>> -> memref<8x128xf32, #tpu.memory_space<hbm>>
      %dma_wait3A_1303 = arith.constant 0 : i32
      %dma_wait3A_1304 = tpu.memref_slice %arg2[%dma_wait3A_1303, %mul3A_2] : memref<8x4096xf32, #tpu.memory_space<hbm>> -> memref<8x128xf32, #tpu.memory_space<hbm>>
      tpu.wait_dma2 semaphore(%run_scoped3A : memref<!tpu.dma_semaphore, #tpu.memory_space<semaphore_mem>>) src(%dma_wait3A_1304 : memref<8x128xf32, #tpu.memory_space<hbm>>) dst(%arg4 : memref<8x128xf32, #tpu.memory_space<vmem>>)
      tpu.yield
    }) : () -> ()
    %get3A = arith.constant 0 : i32
    %get3A_3 = arith.index_cast %get3A : i32 to index
    %get3A_4 = arith.constant 0 : index
    %get3A_5 = tpu.vector_load %arg4[%get3A_3, %get3A_4] {strides = array<i32>} : memref<8x128xf32, #tpu.memory_space<vmem>>, vector<1x16xf32>,
    %get3A_6 = vector.shape_cast %get3A_5 : vector<1x16xf32> to vector<16xf32>
    %get3A_7 = arith.constant 1 : i32
    %get3A_8 = arith.index_cast %get3A_7 : i32 to index
    %get3A_9 = arith.constant 0 : index
    %get3A_10 = tpu.vector_load %arg4[%get3A_8, %get3A_9] {strides = array<i32>} : memref<8x128xf32, #tpu.memory_space<vmem>>, vector<1x16xf32>,
    %get3A_11 = vector.shape_cast %get3A_10 : vector<1x16xf32> to vector<16xf32>
    %get3A_12 = arith.constant 2 : i32
    %get3A_13 = arith.index_cast %get3A_12 : i32 to index
    %get3A_14 = arith.constant 0 : index
    %get3A_15 = tpu.vector_load %arg4[%get3A_13, %get3A_14] {strides = array<i32>} : memref<8x128xf32, #tpu.memory_space<vmem>>, vector<1x16xf32>,
    %get3A_16 = vector.shape_cast %get3A_15 : vector<1x16xf32> to vector<16xf32>
    %get3A_17 = arith.constant 3 : i32
    %get3A_18 = arith.index_cast %get3A_17 : i32 to index
    %get3A_19 = arith.constant 0 : index
    %get3A_20 = tpu.vector_load %arg4[%get3A_18, %get3A_19] {strides = array<i32>} : memref<8x128xf32, #tpu.memory_space<vmem>>, vector<1x16xf32>,
    %get3A_21 = vector.shape_cast %get3A_20 : vector<1x16xf32> to vector<16xf32>
    %get3A_22 = arith.constant 4 : i32
    %get3A_23 = arith.index_cast %get3A_22 : i32 to index
    %get3A_24 = arith.constant 0 : index
    %get3A_25 = tpu.vector_load %arg4[%get3A_23, %get3A_24] {strides = array<i32>} : memref<8x128xf32, #tpu.memory_space<vmem>>, vector<1x16xf32>,
    %get3A_26 = vector.shape_cast %get3A_25 : vector<1x16xf32> to vector<16xf32>
    %get3A_27 = arith.constant 5 : i32
    %get3A_28 = arith.index_cast %get3A_27 : i32 to index
    %get3A_29 = arith.constant 0 : index
    %get3A_30 = tpu.vector_load %arg4[%get3A_28, %get3A_29] {strides = array<i32>} : memref<8x128xf32, #tpu.memory_space<vmem>>, vector<1x16xf32>,
    %get3A_31 = vector.shape_cast %get3A_30 : vector<1x16xf32> to vector<16xf32>
    %get3A_32 = arith.constant 6 : i32
    %get3A_33 = arith.index_cast %get3A_32 : i32 to index
    %get3A_34 = arith.constant 0 : index
    %get3A_35 = tpu.vector_load %arg4[%get3A_33, %get3A_34] {strides = array<i32>} : memref<8x128xf32, #tpu.memory_space<vmem>>, vector<1x16xf32>,
    %get3A_36 = vector.shape_cast %get3A_35 : vector<1x16xf32> to vector<16xf32>
    %get3A_37 = arith.constant 7 : i32
    %get3A_38 = arith.index_cast %get3A_37 : i32 to index
    %get3A_39 = arith.constant 0 : index
    %get3A_40 = tpu.vector_load %arg4[%get3A_38, %get3A_39] {strides = array<i32>} : memref<8x128xf32, #tpu.memory_space<vmem>>, vector<1x16xf32>,
    %get3A_41 = vector.shape_cast %get3A_40 : vector<1x16xf32> to vector<16xf32>
    %broadcast_in_dim3A = arith.constant 0.000000e+00 : f32
    %broadcast_in_dim3A_42 = vector.broadcast %broadcast_in_dim3A : f32 to vector<16xf32>
    %broadcast_in_dim3A_43 = arith.constant -3.000000e+38 : f32
    %broadcast_in_dim3A_44 = vector.broadcast %broadcast_in_dim3A_43 : f32 to vector<16xf32>
    %broadcast_in_dim3A_45 = arith.constant 0.000000e+00 : f32
    %broadcast_in_dim3A_46 = vector.broadcast %broadcast_in_dim3A_45 : f32 to vector<16xf32>
    %broadcast_in_dim3A_47 = arith.constant 1.000000e+00 : f32
    %broadcast_in_dim3A_48 = vector.broadcast %broadcast_in_dim3A_47 : f32 to vector<16xf32>
    %gt3A = arith.cmpf ogt, %get3A_11, %get3A_6 : vector<16xf32>
    %gt3A_49 = arith.cmpf ogt, %get3A_11, %broadcast_in_dim3A_44 : vector<16xf32>
    %select_n3A = arith.select %gt3A_49, %broadcast_in_dim3A_48, %broadcast_in_dim3A_46 : vector<16xi1>, vector<16xf32>
    %select_n3A_50 = arith.select %gt3A, %broadcast_in_dim3A_42, %select_n3A : vector<16xi1>, vector<16xf32>
    %select_n3A_51 = arith.select %gt3A_49, %get3A_11, %broadcast_in_dim3A_44 : vector<16xi1>, vector<16xf32>
    %select_n3A_52 = arith.select %gt3A, %get3A_6, %select_n3A_51 : vector<16xi1>, vector<16xf32>
    %select_n3A_53 = arith.select %gt3A, %broadcast_in_dim3A_48, %broadcast_in_dim3A_42 : vector<16xi1>, vector<16xf32>
    %select_n3A_54 = arith.select %gt3A, %get3A_11, %get3A_6 : vector<16xi1>, vector<16xf32>
    %broadcast_in_dim3A_55 = arith.constant 2.000000e+00 : f32
    %broadcast_in_dim3A_56 = vector.broadcast %broadcast_in_dim3A_55 : f32 to vector<16xf32>
    %gt3A_57 = arith.cmpf ogt, %get3A_16, %select_n3A_54 : vector<16xf32>
    %gt3A_58 = arith.cmpf ogt, %get3A_16, %select_n3A_52 : vector<16xf32>
    %select_n3A_59 = arith.select %gt3A_58, %broadcast_in_dim3A_56, %select_n3A_50 : vector<16xi1>, vector<16xf32>
    %select_n3A_60 = arith.select %gt3A_57, %select_n3A_53, %select_n3A_59 : vector<16xi1>, vector<16xf32>
    %select_n3A_61 = arith.select %gt3A_58, %get3A_16, %select_n3A_52 : vector<16xi1>, vector<16xf32>
    %select_n3A_62 = arith.select %gt3A_57, %select_n3A_54, %select_n3A_61 : vector<16xi1>, vector<16xf32>
    %select_n3A_63 = arith.select %gt3A_57, %broadcast_in_dim3A_56, %select_n3A_53 : vector<16xi1>, vector<16xf32>
    %select_n3A_64 = arith.select %gt3A_57, %get3A_16, %select_n3A_54 : vector<16xi1>, vector<16xf32>
    %broadcast_in_dim3A_65 = arith.constant 3.000000e+00 : f32
    %broadcast_in_dim3A_66 = vector.broadcast %broadcast_in_dim3A_65 : f32 to vector<16xf32>
    %gt3A_67 = arith.cmpf ogt, %get3A_21, %select_n3A_64 : vector<16xf32>
    %gt3A_68 = arith.cmpf ogt, %get3A_21, %select_n3A_62 : vector<16xf32>
    %select_n3A_69 = arith.select %gt3A_68, %broadcast_in_dim3A_66, %select_n3A_60 : vector<16xi1>, vector<16xf32>
    %select_n3A_70 = arith.select %gt3A_67, %select_n3A_63, %select_n3A_69 : vector<16xi1>, vector<16xf32>
    %select_n3A_71 = arith.select %gt3A_68, %get3A_21, %select_n3A_62 : vector<16xi1>, vector<16xf32>
    %select_n3A_72 = arith.select %gt3A_67, %select_n3A_64, %select_n3A_71 : vector<16xi1>, vector<16xf32>
    %select_n3A_73 = arith.select %gt3A_67, %broadcast_in_dim3A_66, %select_n3A_63 : vector<16xi1>, vector<16xf32>
    %select_n3A_74 = arith.select %gt3A_67, %get3A_21, %select_n3A_64 : vector<16xi1>, vector<16xf32>
    %broadcast_in_dim3A_75 = arith.constant 4.000000e+00 : f32
    %broadcast_in_dim3A_76 = vector.broadcast %broadcast_in_dim3A_75 : f32 to vector<16xf32>
    %gt3A_77 = arith.cmpf ogt, %get3A_26, %select_n3A_74 : vector<16xf32>
    %gt3A_78 = arith.cmpf ogt, %get3A_26, %select_n3A_72 : vector<16xf32>
    %select_n3A_79 = arith.select %gt3A_78, %broadcast_in_dim3A_76, %select_n3A_70 : vector<16xi1>, vector<16xf32>
    %select_n3A_80 = arith.select %gt3A_77, %select_n3A_73, %select_n3A_79 : vector<16xi1>, vector<16xf32>
    %select_n3A_81 = arith.select %gt3A_78, %get3A_26, %select_n3A_72 : vector<16xi1>, vector<16xf32>
    %select_n3A_82 = arith.select %gt3A_77, %select_n3A_74, %select_n3A_81 : vector<16xi1>, vector<16xf32>
    %select_n3A_83 = arith.select %gt3A_77, %broadcast_in_dim3A_76, %select_n3A_73 : vector<16xi1>, vector<16xf32>
    %select_n3A_84 = arith.select %gt3A_77, %get3A_26, %select_n3A_74 : vector<16xi1>, vector<16xf32>
    %broadcast_in_dim3A_85 = arith.constant 5.000000e+00 : f32
    %broadcast_in_dim3A_86 = vector.broadcast %broadcast_in_dim3A_85 : f32 to vector<16xf32>
    %gt3A_87 = arith.cmpf ogt, %get3A_31, %select_n3A_84 : vector<16xf32>
    %gt3A_88 = arith.cmpf ogt, %get3A_31, %select_n3A_82 : vector<16xf32>
    %select_n3A_89 = arith.select %gt3A_88, %broadcast_in_dim3A_86, %select_n3A_80 : vector<16xi1>, vector<16xf32>
    %select_n3A_90 = arith.select %gt3A_87, %select_n3A_83, %select_n3A_89 : vector<16xi1>, vector<16xf32>
    %select_n3A_91 = arith.select %gt3A_88, %get3A_31, %select_n3A_82 : vector<16xi1>, vector<16xf32>
    %select_n3A_92 = arith.select %gt3A_87, %select_n3A_84, %select_n3A_91 : vector<16xi1>, vector<16xf32>
    %select_n3A_93 = arith.select %gt3A_87, %broadcast_in_dim3A_86, %select_n3A_83 : vector<16xi1>, vector<16xf32>
    %select_n3A_94 = arith.select %gt3A_87, %get3A_31, %select_n3A_84 : vector<16xi1>, vector<16xf32>
    %broadcast_in_dim3A_95 = arith.constant 6.000000e+00 : f32
    %broadcast_in_dim3A_96 = vector.broadcast %broadcast_in_dim3A_95 : f32 to vector<16xf32>
    %gt3A_97 = arith.cmpf ogt, %get3A_36, %select_n3A_94 : vector<16xf32>
    %gt3A_98 = arith.cmpf ogt, %get3A_36, %select_n3A_92 : vector<16xf32>
    %select_n3A_99 = arith.select %gt3A_98, %broadcast_in_dim3A_96, %select_n3A_90 : vector<16xi1>, vector<16xf32>
    %select_n3A_100 = arith.select %gt3A_97, %select_n3A_93, %select_n3A_99 : vector<16xi1>, vector<16xf32>
    %select_n3A_101 = arith.select %gt3A_98, %get3A_36, %select_n3A_92 : vector<16xi1>, vector<16xf32>
    %select_n3A_102 = arith.select %gt3A_97, %select_n3A_94, %select_n3A_101 : vector<16xi1>, vector<16xf32>
    %select_n3A_103 = arith.select %gt3A_97, %broadcast_in_dim3A_96, %select_n3A_93 : vector<16xi1>, vector<16xf32>
    %select_n3A_104 = arith.select %gt3A_97, %get3A_36, %select_n3A_94 : vector<16xi1>, vector<16xf32>
    %broadcast_in_dim3A_105 = arith.constant 7.000000e+00 : f32
    %broadcast_in_dim3A_106 = vector.broadcast %broadcast_in_dim3A_105 : f32 to vector<16xf32>
    %gt3A_107 = arith.cmpf ogt, %get3A_41, %select_n3A_104 : vector<16xf32>
    %gt3A_108 = arith.cmpf ogt, %get3A_41, %select_n3A_102 : vector<16xf32>
    %select_n3A_109 = arith.select %gt3A_108, %broadcast_in_dim3A_106, %select_n3A_100 : vector<16xi1>, vector<16xf32>
    %select_n3A_110 = arith.select %gt3A_107, %select_n3A_103, %select_n3A_109 : vector<16xi1>, vector<16xf32>
    %select_n3A_111 = arith.select %gt3A_108, %get3A_41, %select_n3A_102 : vector<16xi1>, vector<16xf32>
    %select_n3A_112 = arith.select %gt3A_107, %select_n3A_104, %select_n3A_111 : vector<16xi1>, vector<16xf32>
    %select_n3A_113 = arith.select %gt3A_107, %broadcast_in_dim3A_106, %select_n3A_103 : vector<16xi1>, vector<16xf32>
    %select_n3A_114 = arith.select %gt3A_107, %get3A_41, %select_n3A_104 : vector<16xi1>, vector<16xf32>
    %sub3A = arith.subf %get3A_6, %select_n3A_114 : vector<16xf32>
    %exp3A = math.exp %sub3A : vector<16xf32>
    %sub3A_115 = arith.subf %get3A_11, %select_n3A_114 : vector<16xf32>
    %exp3A_116 = math.exp %sub3A_115 : vector<16xf32>
    %add3A_117 = arith.addf %exp3A, %exp3A_116 : vector<16xf32>
    %sub3A_118 = arith.subf %get3A_16, %select_n3A_114 : vector<16xf32>
    %exp3A_119 = math.exp %sub3A_118 : vector<16xf32>
    %add3A_120 = arith.addf %add3A_117, %exp3A_119 : vector<16xf32>
    %sub3A_121 = arith.subf %get3A_21, %select_n3A_114 : vector<16xf32>
    %exp3A_122 = math.exp %sub3A_121 : vector<16xf32>
    %add3A_123 = arith.addf %add3A_120, %exp3A_122 : vector<16xf32>
    %sub3A_124 = arith.subf %get3A_26, %select_n3A_114 : vector<16xf32>
    %exp3A_125 = math.exp %sub3A_124 : vector<16xf32>
    %add3A_126 = arith.addf %add3A_123, %exp3A_125 : vector<16xf32>
    %sub3A_127 = arith.subf %get3A_31, %select_n3A_114 : vector<16xf32>
    %exp3A_128 = math.exp %sub3A_127 : vector<16xf32>
    %add3A_129 = arith.addf %add3A_126, %exp3A_128 : vector<16xf32>
    %sub3A_130 = arith.subf %get3A_36, %select_n3A_114 : vector<16xf32>
    %exp3A_131 = math.exp %sub3A_130 : vector<16xf32>
    %add3A_132 = arith.addf %add3A_129, %exp3A_131 : vector<16xf32>
    %sub3A_133 = arith.subf %get3A_41, %select_n3A_114 : vector<16xf32>
    %exp3A_134 = math.exp %sub3A_133 : vector<16xf32>
    %add3A_135 = arith.addf %add3A_132, %exp3A_134 : vector<16xf32>
    %sub3A_136 = arith.subf %select_n3A_112, %select_n3A_114 : vector<16xf32>
    %exp3A_137 = math.exp %sub3A_136 : vector<16xf32>
    %add3A_138 = arith.constant 1.000000e+00 : f32
    %add3A_139 = vector.broadcast %add3A_138 : f32 to vector<16xf32>
    %add3A_140 = arith.addf %add3A_139, %exp3A_137 : vector<16xf32>
    %div3A = arith.divf %add3A_140, %add3A_135 : vector<16xf32>
    %swap3A = arith.constant 0 : i32
    %swap3A_141 = arith.index_cast %swap3A : i32 to index
    %swap3A_142 = arith.constant 0 : index
    %swap3A_143 = tpu.vector_load %arg5[%swap3A_141, %swap3A_142] {strides = array<i32>} : memref<1x128xf32, #tpu.memory_space<vmem>>, vector<1x16xf32>,
    %swap3A_144 = vector.shape_cast %swap3A_143 : vector<1x16xf32> to vector<16xf32>
    %swap3A_145 = vector.shape_cast %select_n3A_113 : vector<16xf32> to vector<1x16xf32>
    tpu.vector_store %arg5[%swap3A_141, %swap3A_142], %swap3A_145 {strides = array<i32>} : memref<1x128xf32, #tpu.memory_space<vmem>>, vector<1x16xf32>,
    %swap3A_146 = arith.constant 0 : i32
    %swap3A_147 = arith.index_cast %swap3A_146 : i32 to index
    %swap3A_148 = arith.constant 0 : index
    %swap3A_149 = tpu.vector_load %arg6[%swap3A_147, %swap3A_148] {strides = array<i32>} : memref<1x128xf32, #tpu.memory_space<vmem>>, vector<1x16xf32>,
    %swap3A_150 = vector.shape_cast %swap3A_149 : vector<1x16xf32> to vector<16xf32>
    %swap3A_151 = vector.shape_cast %select_n3A_110 : vector<16xf32> to vector<1x16xf32>
    tpu.vector_store %arg6[%swap3A_147, %swap3A_148], %swap3A_151 {strides = array<i32>} : memref<1x128xf32, #tpu.memory_space<vmem>>, vector<1x16xf32>,
    %swap3A_152 = arith.constant 0 : i32
    %swap3A_153 = arith.index_cast %swap3A_152 : i32 to index
    %swap3A_154 = arith.constant 0 : index
    %swap3A_155 = tpu.vector_load %arg7[%swap3A_153, %swap3A_154] {strides = array<i32>} : memref<1x128xf32, #tpu.memory_space<vmem>>, vector<1x16xf32>,
    %swap3A_156 = vector.shape_cast %swap3A_155 : vector<1x16xf32> to vector<16xf32>
    %swap3A_157 = vector.shape_cast %div3A : vector<16xf32> to vector<1x16xf32>
    tpu.vector_store %arg7[%swap3A_153, %swap3A_154], %swap3A_157 {strides = array<i32>} : memref<1x128xf32, #tpu.memory_space<vmem>>, vector<1x16xf32>,
    %get3A_158 = arith.constant 0 : i32
    %get3A_159 = arith.index_cast %get3A_158 : i32 to index
    %get3A_160 = arith.constant 16 : index
    %get3A_161 = tpu.vector_load %arg4[%get3A_159, %get3A_160] {strides = array<i32>} : memref<8x128xf32, #tpu.memory_space<vmem>>, vector<1x16xf32>,
    %get3A_162 = vector.shape_cast %get3A_161 : vector<1x16xf32> to vector<16xf32>
    %get3A_163 = arith.constant 1 : i32
    %get3A_164 = arith.index_cast %get3A_163 : i32 to index
    %get3A_165 = arith.constant 16 : index
    %get3A_166 = tpu.vector_load %arg4[%get3A_164, %get3A_165] {strides = array<i32>} : memref<8x128xf32, #tpu.memory_space<vmem>>, vector<1x16xf32>,
    %get3A_167 = vector.shape_cast %get3A_166 : vector<1x16xf32> to vector<16xf32>
    %get3A_168 = arith.constant 2 : i32
    %get3A_169 = arith.index_cast %get3A_168 : i32 to index
    %get3A_170 = arith.constant 16 : index
    %get3A_171 = tpu.vector_load %arg4[%get3A_169, %get3A_170] {strides = array<i32>} : memref<8x128xf32, #tpu.memory_space<vmem>>, vector<1x16xf32>,
    %get3A_172 = vector.shape_cast %get3A_171 : vector<1x16xf32> to vector<16xf32>
    %get3A_173 = arith.constant 3 : i32
    %get3A_174 = arith.index_cast %get3A_173 : i32 to index
    %get3A_175 = arith.constant 16 : index
    %get3A_176 = tpu.vector_load %arg4[%get3A_174, %get3A_175] {strides = array<i32>} : memref<8x128xf32, #tpu.memory_space<vmem>>, vector<1x16xf32>,
    %get3A_177 = vector.shape_cast %get3A_176 : vector<1x16xf32> to vector<16xf32>
    %get3A_178 = arith.constant 4 : i32
    %get3A_179 = arith.index_cast %get3A_178 : i32 to index
    %get3A_180 = arith.constant 16 : index
    %get3A_181 = tpu.vector_load %arg4[%get3A_179, %get3A_180] {strides = array<i32>} : memref<8x128xf32, #tpu.memory_space<vmem>>, vector<1x16xf32>,
    %get3A_182 = vector.shape_cast %get3A_181 : vector<1x16xf32> to vector<16xf32>
    %get3A_183 = arith.constant 5 : i32
    %get3A_184 = arith.index_cast %get3A_183 : i32 to index
    %get3A_185 = arith.constant 16 : index
    %get3A_186 = tpu.vector_load %arg4[%get3A_184, %get3A_185] {strides = array<i32>} : memref<8x128xf32, #tpu.memory_space<vmem>>, vector<1x16xf32>,
    %get3A_187 = vector.shape_cast %get3A_186 : vector<1x16xf32> to vector<16xf32>
    %get3A_188 = arith.constant 6 : i32
    %get3A_189 = arith.index_cast %get3A_188 : i32 to index
    %get3A_190 = arith.constant 16 : index
    %get3A_191 = tpu.vector_load %arg4[%get3A_189, %get3A_190] {strides = array<i32>} : memref<8x128xf32, #tpu.memory_space<vmem>>, vector<1x16xf32>,
    %get3A_192 = vector.shape_cast %get3A_191 : vector<1x16xf32> to vector<16xf32>
    %get3A_193 = arith.constant 7 : i32
    %get3A_194 = arith.index_cast %get3A_193 : i32 to index
    %get3A_195 = arith.constant 16 : index
    %get3A_196 = tpu.vector_load %arg4[%get3A_194, %get3A_195] {strides = array<i32>} : memref<8x128xf32, #tpu.memory_space<vmem>>, vector<1x16xf32>,
    %get3A_197 = vector.shape_cast %get3A_196 : vector<1x16xf32> to vector<16xf32>
    %broadcast_in_dim3A_198 = arith.constant 0.000000e+00 : f32
    %broadcast_in_dim3A_199 = vector.broadcast %broadcast_in_dim3A_198 : f32 to vector<16xf32>
    %broadcast_in_dim3A_200 = arith.constant -3.000000e+38 : f32
    %broadcast_in_dim3A_201 = vector.broadcast %broadcast_in_dim3A_200 : f32 to vector<16xf32>
    %broadcast_in_dim3A_202 = arith.constant 0.000000e+00 : f32
    %broadcast_in_dim3A_203 = vector.broadcast %broadcast_in_dim3A_202 : f32 to vector<16xf32>
    %broadcast_in_dim3A_204 = arith.constant 1.000000e+00 : f32
    %broadcast_in_dim3A_205 = vector.broadcast %broadcast_in_dim3A_204 : f32 to vector<16xf32>
    %gt3A_206 = arith.cmpf ogt, %get3A_167, %get3A_162 : vector<16xf32>
    %gt3A_207 = arith.cmpf ogt, %get3A_167, %broadcast_in_dim3A_201 : vector<16xf32>
    %select_n3A_208 = arith.select %gt3A_207, %broadcast_in_dim3A_205, %broadcast_in_dim3A_203 : vector<16xi1>, vector<16xf32>
    %select_n3A_209 = arith.select %gt3A_206, %broadcast_in_dim3A_199, %select_n3A_208 : vector<16xi1>, vector<16xf32>
    %select_n3A_210 = arith.select %gt3A_207, %get3A_167, %broadcast_in_dim3A_201 : vector<16xi1>, vector<16xf32>
    %select_n3A_211 = arith.select %gt3A_206, %get3A_162, %select_n3A_210 : vector<16xi1>, vector<16xf32>
    %select_n3A_212 = arith.select %gt3A_206, %broadcast_in_dim3A_205, %broadcast_in_dim3A_199 : vector<16xi1>, vector<16xf32>
    %select_n3A_213 = arith.select %gt3A_206, %get3A_167, %get3A_162 : vector<16xi1>, vector<16xf32>
    %broadcast_in_dim3A_214 = arith.constant 2.000000e+00 : f32
    %broadcast_in_dim3A_215 = vector.broadcast %broadcast_in_dim3A_214 : f32 to vector<16xf32>
    %gt3A_216 = arith.cmpf ogt, %get3A_172, %select_n3A_213 : vector<16xf32>
    %gt3A_217 = arith.cmpf ogt, %get3A_172, %select_n3A_211 : vector<16xf32>
    %select_n3A_218 = arith.select %gt3A_217, %broadcast_in_dim3A_215, %select_n3A_209 : vector<16xi1>, vector<16xf32>
    %select_n3A_219 = arith.select %gt3A_216, %select_n3A_212, %select_n3A_218 : vector<16xi1>, vector<16xf32>
    %select_n3A_220 = arith.select %gt3A_217, %get3A_172, %select_n3A_211 : vector<16xi1>, vector<16xf32>
    %select_n3A_221 = arith.select %gt3A_216, %select_n3A_213, %select_n3A_220 : vector<16xi1>, vector<16xf32>
    %select_n3A_222 = arith.select %gt3A_216, %broadcast_in_dim3A_215, %select_n3A_212 : vector<16xi1>, vector<16xf32>
    %select_n3A_223 = arith.select %gt3A_216, %get3A_172, %select_n3A_213 : vector<16xi1>, vector<16xf32>
    %broadcast_in_dim3A_224 = arith.constant 3.000000e+00 : f32
    %broadcast_in_dim3A_225 = vector.broadcast %broadcast_in_dim3A_224 : f32 to vector<16xf32>
    %gt3A_226 = arith.cmpf ogt, %get3A_177, %select_n3A_223 : vector<16xf32>
    %gt3A_227 = arith.cmpf ogt, %get3A_177, %select_n3A_221 : vector<16xf32>
    %select_n3A_228 = arith.select %gt3A_227, %broadcast_in_dim3A_225, %select_n3A_219 : vector<16xi1>, vector<16xf32>
    %select_n3A_229 = arith.select %gt3A_226, %select_n3A_222, %select_n3A_228 : vector<16xi1>, vector<16xf32>
    %select_n3A_230 = arith.select %gt3A_227, %get3A_177, %select_n3A_221 : vector<16xi1>, vector<16xf32>
    %select_n3A_231 = arith.select %gt3A_226, %select_n3A_223, %select_n3A_230 : vector<16xi1>, vector<16xf32>
    %select_n3A_232 = arith.select %gt3A_226, %broadcast_in_dim3A_225, %select_n3A_222 : vector<16xi1>, vector<16xf32>
    %select_n3A_233 = arith.select %gt3A_226, %get3A_177, %select_n3A_223 : vector<16xi1>, vector<16xf32>
    %broadcast_in_dim3A_234 = arith.constant 4.000000e+00 : f32
    %broadcast_in_dim3A_235 = vector.broadcast %broadcast_in_dim3A_234 : f32 to vector<16xf32>
    %gt3A_236 = arith.cmpf ogt, %get3A_182, %select_n3A_233 : vector<16xf32>
    %gt3A_237 = arith.cmpf ogt, %get3A_182, %select_n3A_231 : vector<16xf32>
    %select_n3A_238 = arith.select %gt3A_237, %broadcast_in_dim3A_235, %select_n3A_229 : vector<16xi1>, vector<16xf32>
    %select_n3A_239 = arith.select %gt3A_236, %select_n3A_232, %select_n3A_238 : vector<16xi1>, vector<16xf32>
    %select_n3A_240 = arith.select %gt3A_237, %get3A_182, %select_n3A_231 : vector<16xi1>, vector<16xf32>
    %select_n3A_241 = arith.select %gt3A_236, %select_n3A_233, %select_n3A_240 : vector<16xi1>, vector<16xf32>
    %select_n3A_242 = arith.select %gt3A_236, %broadcast_in_dim3A_235, %select_n3A_232 : vector<16xi1>, vector<16xf32>
    %select_n3A_243 = arith.select %gt3A_236, %get3A_182, %select_n3A_233 : vector<16xi1>, vector<16xf32>
    %broadcast_in_dim3A_244 = arith.constant 5.000000e+00 : f32
    %broadcast_in_dim3A_245 = vector.broadcast %broadcast_in_dim3A_244 : f32 to vector<16xf32>
    %gt3A_246 = arith.cmpf ogt, %get3A_187, %select_n3A_243 : vector<16xf32>
    %gt3A_247 = arith.cmpf ogt, %get3A_187, %select_n3A_241 : vector<16xf32>
    %select_n3A_248 = arith.select %gt3A_247, %broadcast_in_dim3A_245, %select_n3A_239 : vector<16xi1>, vector<16xf32>
    %select_n3A_249 = arith.select %gt3A_246, %select_n3A_242, %select_n3A_248 : vector<16xi1>, vector<16xf32>
    %select_n3A_250 = arith.select %gt3A_247, %get3A_187, %select_n3A_241 : vector<16xi1>, vector<16xf32>
    %select_n3A_251 = arith.select %gt3A_246, %select_n3A_243, %select_n3A_250 : vector<16xi1>, vector<16xf32>
    %select_n3A_252 = arith.select %gt3A_246, %broadcast_in_dim3A_245, %select_n3A_242 : vector<16xi1>, vector<16xf32>
    %select_n3A_253 = arith.select %gt3A_246, %get3A_187, %select_n3A_243 : vector<16xi1>, vector<16xf32>
    %broadcast_in_dim3A_254 = arith.constant 6.000000e+00 : f32
    %broadcast_in_dim3A_255 = vector.broadcast %broadcast_in_dim3A_254 : f32 to vector<16xf32>
    %gt3A_256 = arith.cmpf ogt, %get3A_192, %select_n3A_253 : vector<16xf32>
    %gt3A_257 = arith.cmpf ogt, %get3A_192, %select_n3A_251 : vector<16xf32>
    %select_n3A_258 = arith.select %gt3A_257, %broadcast_in_dim3A_255, %select_n3A_249 : vector<16xi1>, vector<16xf32>
    %select_n3A_259 = arith.select %gt3A_256, %select_n3A_252, %select_n3A_258 : vector<16xi1>, vector<16xf32>
    %select_n3A_260 = arith.select %gt3A_257, %get3A_192, %select_n3A_251 : vector<16xi1>, vector<16xf32>
    %select_n3A_261 = arith.select %gt3A_256, %select_n3A_253, %select_n3A_260 : vector<16xi1>, vector<16xf32>
    %select_n3A_262 = arith.select %gt3A_256, %broadcast_in_dim3A_255, %select_n3A_252 : vector<16xi1>, vector<16xf32>
    %select_n3A_263 = arith.select %gt3A_256, %get3A_192, %select_n3A_253 : vector<16xi1>, vector<16xf32>
    %broadcast_in_dim3A_264 = arith.constant 7.000000e+00 : f32
    %broadcast_in_dim3A_265 = vector.broadcast %broadcast_in_dim3A_264 : f32 to vector<16xf32>
    %gt3A_266 = arith.cmpf ogt, %get3A_197, %select_n3A_263 : vector<16xf32>
    %gt3A_267 = arith.cmpf ogt, %get3A_197, %select_n3A_261 : vector<16xf32>
    %select_n3A_268 = arith.select %gt3A_267, %broadcast_in_dim3A_265, %select_n3A_259 : vector<16xi1>, vector<16xf32>
    %select_n3A_269 = arith.select %gt3A_266, %select_n3A_262, %select_n3A_268 : vector<16xi1>, vector<16xf32>
    %select_n3A_270 = arith.select %gt3A_267, %get3A_197, %select_n3A_261 : vector<16xi1>, vector<16xf32>
    %select_n3A_271 = arith.select %gt3A_266, %select_n3A_263, %select_n3A_270 : vector<16xi1>, vector<16xf32>
    %select_n3A_272 = arith.select %gt3A_266, %broadcast_in_dim3A_265, %select_n3A_262 : vector<16xi1>, vector<16xf32>
    %select_n3A_273 = arith.select %gt3A_266, %get3A_197, %select_n3A_263 : vector<16xi1>, vector<16xf32>
    %sub3A_274 = arith.subf %get3A_162, %select_n3A_273 : vector<16xf32>
    %exp3A_275 = math.exp %sub3A_274 : vector<16xf32>
    %sub3A_276 = arith.subf %get3A_167, %select_n3A_273 : vector<16xf32>
    %exp3A_277 = math.exp %sub3A_276 : vector<16xf32>
    %add3A_278 = arith.addf %exp3A_275, %exp3A_277 : vector<16xf32>
    %sub3A_279 = arith.subf %get3A_172, %select_n3A_273 : vector<16xf32>
    %exp3A_280 = math.exp %sub3A_279 : vector<16xf32>
    %add3A_281 = arith.addf %add3A_278, %exp3A_280 : vector<16xf32>
    %sub3A_282 = arith.subf %get3A_177, %select_n3A_273 : vector<16xf32>
    %exp3A_283 = math.exp %sub3A_282 : vector<16xf32>
    %add3A_284 = arith.addf %add3A_281, %exp3A_283 : vector<16xf32>
    %sub3A_285 = arith.subf %get3A_182, %select_n3A_273 : vector<16xf32>
    %exp3A_286 = math.exp %sub3A_285 : vector<16xf32>
    %add3A_287 = arith.addf %add3A_284, %exp3A_286 : vector<16xf32>
    %sub3A_288 = arith.subf %get3A_187, %select_n3A_273 : vector<16xf32>
    %exp3A_289 = math.exp %sub3A_288 : vector<16xf32>
    %add3A_290 = arith.addf %add3A_287, %exp3A_289 : vector<16xf32>
    %sub3A_291 = arith.subf %get3A_192, %select_n3A_273 : vector<16xf32>
    %exp3A_292 = math.exp %sub3A_291 : vector<16xf32>
    %add3A_293 = arith.addf %add3A_290, %exp3A_292 : vector<16xf32>
    %sub3A_294 = arith.subf %get3A_197, %select_n3A_273 : vector<16xf32>
    %exp3A_295 = math.exp %sub3A_294 : vector<16xf32>
    %add3A_296 = arith.addf %add3A_293, %exp3A_295 : vector<16xf32>
    %sub3A_297 = arith.subf %select_n3A_271, %select_n3A_273 : vector<16xf32>
    %exp3A_298 = math.exp %sub3A_297 : vector<16xf32>
    %add3A_299 = arith.constant 1.000000e+00 : f32
    %add3A_300 = vector.broadcast %add3A_299 : f32 to vector<16xf32>
    %add3A_301 = arith.addf %add3A_300, %exp3A_298 : vector<16xf32>
    %div3A_302 = arith.divf %add3A_301, %add3A_296 : vector<16xf32>
    %swap3A_303 = arith.constant 0 : i32
    %swap3A_304 = arith.index_cast %swap3A_303 : i32 to index
    %swap3A_305 = arith.constant 16 : index
    %swap3A_306 = tpu.vector_load %arg5[%swap3A_304, %swap3A_305] {strides = array<i32>} : memref<1x128xf32, #tpu.memory_space<vmem>>, vector<1x16xf32>,
    %swap3A_307 = vector.shape_cast %swap3A_306 : vector<1x16xf32> to vector<16xf32>
    %swap3A_308 = vector.shape_cast %select_n3A_272 : vector<16xf32> to vector<1x16xf32>
    tpu.vector_store %arg5[%swap3A_304, %swap3A_305], %swap3A_308 {strides = array<i32>} : memref<1x128xf32, #tpu.memory_space<vmem>>, vector<1x16xf32>,
    %swap3A_309 = arith.constant 0 : i32
    %swap3A_310 = arith.index_cast %swap3A_309 : i32 to index
    %swap3A_311 = arith.constant 16 : index
    %swap3A_312 = tpu.vector_load %arg6[%swap3A_310, %swap3A_311] {strides = array<i32>} : memref<1x128xf32, #tpu.memory_space<vmem>>, vector<1x16xf32>,
    %swap3A_313 = vector.shape_cast %swap3A_312 : vector<1x16xf32> to vector<16xf32>
    %swap3A_314 = vector.shape_cast %select_n3A_269 : vector<16xf32> to vector<1x16xf32>
    tpu.vector_store %arg6[%swap3A_310, %swap3A_311], %swap3A_314 {strides = array<i32>} : memref<1x128xf32, #tpu.memory_space<vmem>>, vector<1x16xf32>,
    %swap3A_315 = arith.constant 0 : i32
    %swap3A_316 = arith.index_cast %swap3A_315 : i32 to index
    %swap3A_317 = arith.constant 16 : index
    %swap3A_318 = tpu.vector_load %arg7[%swap3A_316, %swap3A_317] {strides = array<i32>} : memref<1x128xf32, #tpu.memory_space<vmem>>, vector<1x16xf32>,
    %swap3A_319 = vector.shape_cast %swap3A_318 : vector<1x16xf32> to vector<16xf32>
    %swap3A_320 = vector.shape_cast %div3A_302 : vector<16xf32> to vector<1x16xf32>
    tpu.vector_store %arg7[%swap3A_316, %swap3A_317], %swap3A_320 {strides = array<i32>} : memref<1x128xf32, #tpu.memory_space<vmem>>, vector<1x16xf32>,
    %get3A_321 = arith.constant 0 : i32
    %get3A_322 = arith.index_cast %get3A_321 : i32 to index
    %get3A_323 = arith.constant 32 : index
    %get3A_324 = tpu.vector_load %arg4[%get3A_322, %get3A_323] {strides = array<i32>} : memref<8x128xf32, #tpu.memory_space<vmem>>, vector<1x16xf32>,
    %get3A_325 = vector.shape_cast %get3A_324 : vector<1x16xf32> to vector<16xf32>
    %get3A_326 = arith.constant 1 : i32
    %get3A_327 = arith.index_cast %get3A_326 : i32 to index
    %get3A_328 = arith.constant 32 : index
    %get3A_329 = tpu.vector_load %arg4[%get3A_327, %get3A_328] {strides = array<i32>} : memref<8x128xf32, #tpu.memory_space<vmem>>, vector<1x16xf32>,
    %get3A_330 = vector.shape_cast %get3A_329 : vector<1x16xf32> to vector<16xf32>
    %get3A_331 = arith.constant 2 : i32
    %get3A_332 = arith.index_cast %get3A_331 : i32 to index
    %get3A_333 = arith.constant 32 : index
    %get3A_334 = tpu.vector_load %arg4[%get3A_332, %get3A_333] {strides = array<i32>} : memref<8x128xf32, #tpu.memory_space<vmem>>, vector<1x16xf32>,
    %get3A_335 = vector.shape_cast %get3A_334 : vector<1x16xf32> to vector<16xf32>
    %get3A_336 = arith.constant 3 : i32
    %get3A_337 = arith.index_cast %get3A_336 : i32 to index
    %get3A_338 = arith.constant 32 : index
    %get3A_339 = tpu.vector_load %arg4[%get3A_337, %get3A_338] {strides = array<i32>} : memref<8x128xf32, #tpu.memory_space<vmem>>, vector<1x16xf32>,
    %get3A_340 = vector.shape_cast %get3A_339 : vector<1x16xf32> to vector<16xf32>
    %get3A_341 = arith.constant 4 : i32
    %get3A_342 = arith.index_cast %get3A_341 : i32 to index
    %get3A_343 = arith.constant 32 : index
    %get3A_344 = tpu.vector_load %arg4[%get3A_342, %get3A_343] {strides = array<i32>} : memref<8x128xf32, #tpu.memory_space<vmem>>, vector<1x16xf32>,
    %get3A_345 = vector.shape_cast %get3A_344 : vector<1x16xf32> to vector<16xf32>
    %get3A_346 = arith.constant 5 : i32
    %get3A_347 = arith.index_cast %get3A_346 : i32 to index
    %get3A_348 = arith.constant 32 : index
    %get3A_349 = tpu.vector_load %arg4[%get3A_347, %get3A_348] {strides = array<i32>} : memref<8x128xf32, #tpu.memory_space<vmem>>, vector<1x16xf32>,
    %get3A_350 = vector.shape_cast %get3A_349 : vector<1x16xf32> to vector<16xf32>
    %get3A_351 = arith.constant 6 : i32
    %get3A_352 = arith.index_cast %get3A_351 : i32 to index
    %get3A_353 = arith.constant 32 : index
    %get3A_354 = tpu.vector_load %arg4[%get3A_352, %get3A_353] {strides = array<i32>} : memref<8x128xf32, #tpu.memory_space<vmem>>, vector<1x16xf32>,
    %get3A_355 = vector.shape_cast %get3A_354 : vector<1x16xf32> to vector<16xf32>
    %get3A_356 = arith.constant 7 : i32
    %get3A_357 = arith.index_cast %get3A_356 : i32 to index
    %get3A_358 = arith.constant 32 : index
    %get3A_359 = tpu.vector_load %arg4[%get3A_357, %get3A_358] {strides = array<i32>} : memref<8x128xf32, #tpu.memory_space<vmem>>, vector<1x16xf32>,
    %get3A_360 = vector.shape_cast %get3A_359 : vector<1x16xf32> to vector<16xf32>
    %broadcast_in_dim3A_361 = arith.constant 0.000000e+00 : f32
    %broadcast_in_dim3A_362 = vector.broadcast %broadcast_in_dim3A_361 : f32 to vector<16xf32>
    %broadcast_in_dim3A_363 = arith.constant -3.000000e+38 : f32
    %broadcast_in_dim3A_364 = vector.broadcast %broadcast_in_dim3A_363 : f32 to vector<16xf32>
    %broadcast_in_dim3A_365 = arith.constant 0.000000e+00 : f32
    %broadcast_in_dim3A_366 = vector.broadcast %broadcast_in_dim3A_365 : f32 to vector<16xf32>
    %broadcast_in_dim3A_367 = arith.constant 1.000000e+00 : f32
    %broadcast_in_dim3A_368 = vector.broadcast %broadcast_in_dim3A_367 : f32 to vector<16xf32>
    %gt3A_369 = arith.cmpf ogt, %get3A_330, %get3A_325 : vector<16xf32>
    %gt3A_370 = arith.cmpf ogt, %get3A_330, %broadcast_in_dim3A_364 : vector<16xf32>
    %select_n3A_371 = arith.select %gt3A_370, %broadcast_in_dim3A_368, %broadcast_in_dim3A_366 : vector<16xi1>, vector<16xf32>
    %select_n3A_372 = arith.select %gt3A_369, %broadcast_in_dim3A_362, %select_n3A_371 : vector<16xi1>, vector<16xf32>
    %select_n3A_373 = arith.select %gt3A_370, %get3A_330, %broadcast_in_dim3A_364 : vector<16xi1>, vector<16xf32>
    %select_n3A_374 = arith.select %gt3A_369, %get3A_325, %select_n3A_373 : vector<16xi1>, vector<16xf32>
    %select_n3A_375 = arith.select %gt3A_369, %broadcast_in_dim3A_368, %broadcast_in_dim3A_362 : vector<16xi1>, vector<16xf32>
    %select_n3A_376 = arith.select %gt3A_369, %get3A_330, %get3A_325 : vector<16xi1>, vector<16xf32>
    %broadcast_in_dim3A_377 = arith.constant 2.000000e+00 : f32
    %broadcast_in_dim3A_378 = vector.broadcast %broadcast_in_dim3A_377 : f32 to vector<16xf32>
    %gt3A_379 = arith.cmpf ogt, %get3A_335, %select_n3A_376 : vector<16xf32>
    %gt3A_380 = arith.cmpf ogt, %get3A_335, %select_n3A_374 : vector<16xf32>
    %select_n3A_381 = arith.select %gt3A_380, %broadcast_in_dim3A_378, %select_n3A_372 : vector<16xi1>, vector<16xf32>
    %select_n3A_382 = arith.select %gt3A_379, %select_n3A_375, %select_n3A_381 : vector<16xi1>, vector<16xf32>
    %select_n3A_383 = arith.select %gt3A_380, %get3A_335, %select_n3A_374 : vector<16xi1>, vector<16xf32>
    %select_n3A_384 = arith.select %gt3A_379, %select_n3A_376, %select_n3A_383 : vector<16xi1>, vector<16xf32>
    %select_n3A_385 = arith.select %gt3A_379, %broadcast_in_dim3A_378, %select_n3A_375 : vector<16xi1>, vector<16xf32>
    %select_n3A_386 = arith.select %gt3A_379, %get3A_335, %select_n3A_376 : vector<16xi1>, vector<16xf32>
    %broadcast_in_dim3A_387 = arith.constant 3.000000e+00 : f32
    %broadcast_in_dim3A_388 = vector.broadcast %broadcast_in_dim3A_387 : f32 to vector<16xf32>
    %gt3A_389 = arith.cmpf ogt, %get3A_340, %select_n3A_386 : vector<16xf32>
    %gt3A_390 = arith.cmpf ogt, %get3A_340, %select_n3A_384 : vector<16xf32>
    %select_n3A_391 = arith.select %gt3A_390, %broadcast_in_dim3A_388, %select_n3A_382 : vector<16xi1>, vector<16xf32>
    %select_n3A_392 = arith.select %gt3A_389, %select_n3A_385, %select_n3A_391 : vector<16xi1>, vector<16xf32>
    %select_n3A_393 = arith.select %gt3A_390, %get3A_340, %select_n3A_384 : vector<16xi1>, vector<16xf32>
    %select_n3A_394 = arith.select %gt3A_389, %select_n3A_386, %select_n3A_393 : vector<16xi1>, vector<16xf32>
    %select_n3A_395 = arith.select %gt3A_389, %broadcast_in_dim3A_388, %select_n3A_385 : vector<16xi1>, vector<16xf32>
    %select_n3A_396 = arith.select %gt3A_389, %get3A_340, %select_n3A_386 : vector<16xi1>, vector<16xf32>
    %broadcast_in_dim3A_397 = arith.constant 4.000000e+00 : f32
    %broadcast_in_dim3A_398 = vector.broadcast %broadcast_in_dim3A_397 : f32 to vector<16xf32>
    %gt3A_399 = arith.cmpf ogt, %get3A_345, %select_n3A_396 : vector<16xf32>
    %gt3A_400 = arith.cmpf ogt, %get3A_345, %select_n3A_394 : vector<16xf32>
    %select_n3A_401 = arith.select %gt3A_400, %broadcast_in_dim3A_398, %select_n3A_392 : vector<16xi1>, vector<16xf32>
    %select_n3A_402 = arith.select %gt3A_399, %select_n3A_395, %select_n3A_401 : vector<16xi1>, vector<16xf32>
    %select_n3A_403 = arith.select %gt3A_400, %get3A_345, %select_n3A_394 : vector<16xi1>, vector<16xf32>
    %select_n3A_404 = arith.select %gt3A_399, %select_n3A_396, %select_n3A_403 : vector<16xi1>, vector<16xf32>
    %select_n3A_405 = arith.select %gt3A_399, %broadcast_in_dim3A_398, %select_n3A_395 : vector<16xi1>, vector<16xf32>
    %select_n3A_406 = arith.select %gt3A_399, %get3A_345, %select_n3A_396 : vector<16xi1>, vector<16xf32>
    %broadcast_in_dim3A_407 = arith.constant 5.000000e+00 : f32
    %broadcast_in_dim3A_408 = vector.broadcast %broadcast_in_dim3A_407 : f32 to vector<16xf32>
    %gt3A_409 = arith.cmpf ogt, %get3A_350, %select_n3A_406 : vector<16xf32>
    %gt3A_410 = arith.cmpf ogt, %get3A_350, %select_n3A_404 : vector<16xf32>
    %select_n3A_411 = arith.select %gt3A_410, %broadcast_in_dim3A_408, %select_n3A_402 : vector<16xi1>, vector<16xf32>
    %select_n3A_412 = arith.select %gt3A_409, %select_n3A_405, %select_n3A_411 : vector<16xi1>, vector<16xf32>
    %select_n3A_413 = arith.select %gt3A_410, %get3A_350, %select_n3A_404 : vector<16xi1>, vector<16xf32>
    %select_n3A_414 = arith.select %gt3A_409, %select_n3A_406, %select_n3A_413 : vector<16xi1>, vector<16xf32>
    %select_n3A_415 = arith.select %gt3A_409, %broadcast_in_dim3A_408, %select_n3A_405 : vector<16xi1>, vector<16xf32>
    %select_n3A_416 = arith.select %gt3A_409, %get3A_350, %select_n3A_406 : vector<16xi1>, vector<16xf32>
    %broadcast_in_dim3A_417 = arith.constant 6.000000e+00 : f32
    %broadcast_in_dim3A_418 = vector.broadcast %broadcast_in_dim3A_417 : f32 to vector<16xf32>
    %gt3A_419 = arith.cmpf ogt, %get3A_355, %select_n3A_416 : vector<16xf32>
    %gt3A_420 = arith.cmpf ogt, %get3A_355, %select_n3A_414 : vector<16xf32>
    %select_n3A_421 = arith.select %gt3A_420, %broadcast_in_dim3A_418, %select_n3A_412 : vector<16xi1>, vector<16xf32>
    %select_n3A_422 = arith.select %gt3A_419, %select_n3A_415, %select_n3A_421 : vector<16xi1>, vector<16xf32>
    %select_n3A_423 = arith.select %gt3A_420, %get3A_355, %select_n3A_414 : vector<16xi1>, vector<16xf32>
    %select_n3A_424 = arith.select %gt3A_419, %select_n3A_416, %select_n3A_423 : vector<16xi1>, vector<16xf32>
    %select_n3A_425 = arith.select %gt3A_419, %broadcast_in_dim3A_418, %select_n3A_415 : vector<16xi1>, vector<16xf32>
    %select_n3A_426 = arith.select %gt3A_419, %get3A_355, %select_n3A_416 : vector<16xi1>, vector<16xf32>
    %broadcast_in_dim3A_427 = arith.constant 7.000000e+00 : f32
    %broadcast_in_dim3A_428 = vector.broadcast %broadcast_in_dim3A_427 : f32 to vector<16xf32>
    %gt3A_429 = arith.cmpf ogt, %get3A_360, %select_n3A_426 : vector<16xf32>
    %gt3A_430 = arith.cmpf ogt, %get3A_360, %select_n3A_424 : vector<16xf32>
    %select_n3A_431 = arith.select %gt3A_430, %broadcast_in_dim3A_428, %select_n3A_422 : vector<16xi1>, vector<16xf32>
    %select_n3A_432 = arith.select %gt3A_429, %select_n3A_425, %select_n3A_431 : vector<16xi1>, vector<16xf32>
    %select_n3A_433 = arith.select %gt3A_430, %get3A_360, %select_n3A_424 : vector<16xi1>, vector<16xf32>
    %select_n3A_434 = arith.select %gt3A_429, %select_n3A_426, %select_n3A_433 : vector<16xi1>, vector<16xf32>
    %select_n3A_435 = arith.select %gt3A_429, %broadcast_in_dim3A_428, %select_n3A_425 : vector<16xi1>, vector<16xf32>
    %select_n3A_436 = arith.select %gt3A_429, %get3A_360, %select_n3A_426 : vector<16xi1>, vector<16xf32>
    %sub3A_437 = arith.subf %get3A_325, %select_n3A_436 : vector<16xf32>
    %exp3A_438 = math.exp %sub3A_437 : vector<16xf32>
    %sub3A_439 = arith.subf %get3A_330, %select_n3A_436 : vector<16xf32>
    %exp3A_440 = math.exp %sub3A_439 : vector<16xf32>
    %add3A_441 = arith.addf %exp3A_438, %exp3A_440 : vector<16xf32>
    %sub3A_442 = arith.subf %get3A_335, %select_n3A_436 : vector<16xf32>
    %exp3A_443 = math.exp %sub3A_442 : vector<16xf32>
    %add3A_444 = arith.addf %add3A_441, %exp3A_443 : vector<16xf32>
    %sub3A_445 = arith.subf %get3A_340, %select_n3A_436 : vector<16xf32>
    %exp3A_446 = math.exp %sub3A_445 : vector<16xf32>
    %add3A_447 = arith.addf %add3A_444, %exp3A_446 : vector<16xf32>
    %sub3A_448 = arith.subf %get3A_345, %select_n3A_436 : vector<16xf32>
    %exp3A_449 = math.exp %sub3A_448 : vector<16xf32>
    %add3A_450 = arith.addf %add3A_447, %exp3A_449 : vector<16xf32>
    %sub3A_451 = arith.subf %get3A_350, %select_n3A_436 : vector<16xf32>
    %exp3A_452 = math.exp %sub3A_451 : vector<16xf32>
    %add3A_453 = arith.addf %add3A_450, %exp3A_452 : vector<16xf32>
    %sub3A_454 = arith.subf %get3A_355, %select_n3A_436 : vector<16xf32>
    %exp3A_455 = math.exp %sub3A_454 : vector<16xf32>
    %add3A_456 = arith.addf %add3A_453, %exp3A_455 : vector<16xf32>
    %sub3A_457 = arith.subf %get3A_360, %select_n3A_436 : vector<16xf32>
    %exp3A_458 = math.exp %sub3A_457 : vector<16xf32>
    %add3A_459 = arith.addf %add3A_456, %exp3A_458 : vector<16xf32>
    %sub3A_460 = arith.subf %select_n3A_434, %select_n3A_436 : vector<16xf32>
    %exp3A_461 = math.exp %sub3A_460 : vector<16xf32>
    %add3A_462 = arith.constant 1.000000e+00 : f32
    %add3A_463 = vector.broadcast %add3A_462 : f32 to vector<16xf32>
    %add3A_464 = arith.addf %add3A_463, %exp3A_461 : vector<16xf32>
    %div3A_465 = arith.divf %add3A_464, %add3A_459 : vector<16xf32>
    %swap3A_466 = arith.constant 0 : i32
    %swap3A_467 = arith.index_cast %swap3A_466 : i32 to index
    %swap3A_468 = arith.constant 32 : index
    %swap3A_469 = tpu.vector_load %arg5[%swap3A_467, %swap3A_468] {strides = array<i32>} : memref<1x128xf32, #tpu.memory_space<vmem>>, vector<1x16xf32>,
    %swap3A_470 = vector.shape_cast %swap3A_469 : vector<1x16xf32> to vector<16xf32>
    %swap3A_471 = vector.shape_cast %select_n3A_435 : vector<16xf32> to vector<1x16xf32>
    tpu.vector_store %arg5[%swap3A_467, %swap3A_468], %swap3A_471 {strides = array<i32>} : memref<1x128xf32, #tpu.memory_space<vmem>>, vector<1x16xf32>,
    %swap3A_472 = arith.constant 0 : i32
    %swap3A_473 = arith.index_cast %swap3A_472 : i32 to index
    %swap3A_474 = arith.constant 32 : index
    %swap3A_475 = tpu.vector_load %arg6[%swap3A_473, %swap3A_474] {strides = array<i32>} : memref<1x128xf32, #tpu.memory_space<vmem>>, vector<1x16xf32>,
    %swap3A_476 = vector.shape_cast %swap3A_475 : vector<1x16xf32> to vector<16xf32>
    %swap3A_477 = vector.shape_cast %select_n3A_432 : vector<16xf32> to vector<1x16xf32>
    tpu.vector_store %arg6[%swap3A_473, %swap3A_474], %swap3A_477 {strides = array<i32>} : memref<1x128xf32, #tpu.memory_space<vmem>>, vector<1x16xf32>,
    %swap3A_478 = arith.constant 0 : i32
    %swap3A_479 = arith.index_cast %swap3A_478 : i32 to index
    %swap3A_480 = arith.constant 32 : index
    %swap3A_481 = tpu.vector_load %arg7[%swap3A_479, %swap3A_480] {strides = array<i32>} : memref<1x128xf32, #tpu.memory_space<vmem>>, vector<1x16xf32>,
    %swap3A_482 = vector.shape_cast %swap3A_481 : vector<1x16xf32> to vector<16xf32>
    %swap3A_483 = vector.shape_cast %div3A_465 : vector<16xf32> to vector<1x16xf32>
    tpu.vector_store %arg7[%swap3A_479, %swap3A_480], %swap3A_483 {strides = array<i32>} : memref<1x128xf32, #tpu.memory_space<vmem>>, vector<1x16xf32>,
    %get3A_484 = arith.constant 0 : i32
    %get3A_485 = arith.index_cast %get3A_484 : i32 to index
    %get3A_486 = arith.constant 48 : index
    %get3A_487 = tpu.vector_load %arg4[%get3A_485, %get3A_486] {strides = array<i32>} : memref<8x128xf32, #tpu.memory_space<vmem>>, vector<1x16xf32>,
    %get3A_488 = vector.shape_cast %get3A_487 : vector<1x16xf32> to vector<16xf32>
    %get3A_489 = arith.constant 1 : i32
    %get3A_490 = arith.index_cast %get3A_489 : i32 to index
    %get3A_491 = arith.constant 48 : index
    %get3A_492 = tpu.vector_load %arg4[%get3A_490, %get3A_491] {strides = array<i32>} : memref<8x128xf32, #tpu.memory_space<vmem>>, vector<1x16xf32>,
    %get3A_493 = vector.shape_cast %get3A_492 : vector<1x16xf32> to vector<16xf32>
    %get3A_494 = arith.constant 2 : i32
    %get3A_495 = arith.index_cast %get3A_494 : i32 to index
    %get3A_496 = arith.constant 48 : index
    %get3A_497 = tpu.vector_load %arg4[%get3A_495, %get3A_496] {strides = array<i32>} : memref<8x128xf32, #tpu.memory_space<vmem>>, vector<1x16xf32>,
    %get3A_498 = vector.shape_cast %get3A_497 : vector<1x16xf32> to vector<16xf32>
    %get3A_499 = arith.constant 3 : i32
    %get3A_500 = arith.index_cast %get3A_499 : i32 to index
    %get3A_501 = arith.constant 48 : index
    %get3A_502 = tpu.vector_load %arg4[%get3A_500, %get3A_501] {strides = array<i32>} : memref<8x128xf32, #tpu.memory_space<vmem>>, vector<1x16xf32>,
    %get3A_503 = vector.shape_cast %get3A_502 : vector<1x16xf32> to vector<16xf32>
    %get3A_504 = arith.constant 4 : i32
    %get3A_505 = arith.index_cast %get3A_504 : i32 to index
    %get3A_506 = arith.constant 48 : index
    %get3A_507 = tpu.vector_load %arg4[%get3A_505, %get3A_506] {strides = array<i32>} : memref<8x128xf32, #tpu.memory_space<vmem>>, vector<1x16xf32>,
    %get3A_508 = vector.shape_cast %get3A_507 : vector<1x16xf32> to vector<16xf32>
    %get3A_509 = arith.constant 5 : i32
    %get3A_510 = arith.index_cast %get3A_509 : i32 to index
    %get3A_511 = arith.constant 48 : index
    %get3A_512 = tpu.vector_load %arg4[%get3A_510, %get3A_511] {strides = array<i32>} : memref<8x128xf32, #tpu.memory_space<vmem>>, vector<1x16xf32>,
    %get3A_513 = vector.shape_cast %get3A_512 : vector<1x16xf32> to vector<16xf32>
    %get3A_514 = arith.constant 6 : i32
    %get3A_515 = arith.index_cast %get3A_514 : i32 to index
    %get3A_516 = arith.constant 48 : index
    %get3A_517 = tpu.vector_load %arg4[%get3A_515, %get3A_516] {strides = array<i32>} : memref<8x128xf32, #tpu.memory_space<vmem>>, vector<1x16xf32>,
    %get3A_518 = vector.shape_cast %get3A_517 : vector<1x16xf32> to vector<16xf32>
    %get3A_519 = arith.constant 7 : i32
    %get3A_520 = arith.index_cast %get3A_519 : i32 to index
    %get3A_521 = arith.constant 48 : index
    %get3A_522 = tpu.vector_load %arg4[%get3A_520, %get3A_521] {strides = array<i32>} : memref<8x128xf32, #tpu.memory_space<vmem>>, vector<1x16xf32>,
    %get3A_523 = vector.shape_cast %get3A_522 : vector<1x16xf32> to vector<16xf32>
    %broadcast_in_dim3A_524 = arith.constant 0.000000e+00 : f32
    %broadcast_in_dim3A_525 = vector.broadcast %broadcast_in_dim3A_524 : f32 to vector<16xf32>
    %broadcast_in_dim3A_526 = arith.constant -3.000000e+38 : f32
    %broadcast_in_dim3A_527 = vector.broadcast %broadcast_in_dim3A_526 : f32 to vector<16xf32>
    %broadcast_in_dim3A_528 = arith.constant 0.000000e+00 : f32
    %broadcast_in_dim3A_529 = vector.broadcast %broadcast_in_dim3A_528 : f32 to vector<16xf32>
    %broadcast_in_dim3A_530 = arith.constant 1.000000e+00 : f32
    %broadcast_in_dim3A_531 = vector.broadcast %broadcast_in_dim3A_530 : f32 to vector<16xf32>
    %gt3A_532 = arith.cmpf ogt, %get3A_493, %get3A_488 : vector<16xf32>
    %gt3A_533 = arith.cmpf ogt, %get3A_493, %broadcast_in_dim3A_527 : vector<16xf32>
    %select_n3A_534 = arith.select %gt3A_533, %broadcast_in_dim3A_531, %broadcast_in_dim3A_529 : vector<16xi1>, vector<16xf32>
    %select_n3A_535 = arith.select %gt3A_532, %broadcast_in_dim3A_525, %select_n3A_534 : vector<16xi1>, vector<16xf32>
    %select_n3A_536 = arith.select %gt3A_533, %get3A_493, %broadcast_in_dim3A_527 : vector<16xi1>, vector<16xf32>
    %select_n3A_537 = arith.select %gt3A_532, %get3A_488, %select_n3A_536 : vector<16xi1>, vector<16xf32>
    %select_n3A_538 = arith.select %gt3A_532, %broadcast_in_dim3A_531, %broadcast_in_dim3A_525 : vector<16xi1>, vector<16xf32>
    %select_n3A_539 = arith.select %gt3A_532, %get3A_493, %get3A_488 : vector<16xi1>, vector<16xf32>
    %broadcast_in_dim3A_540 = arith.constant 2.000000e+00 : f32
    %broadcast_in_dim3A_541 = vector.broadcast %broadcast_in_dim3A_540 : f32 to vector<16xf32>
    %gt3A_542 = arith.cmpf ogt, %get3A_498, %select_n3A_539 : vector<16xf32>
    %gt3A_543 = arith.cmpf ogt, %get3A_498, %select_n3A_537 : vector<16xf32>
    %select_n3A_544 = arith.select %gt3A_543, %broadcast_in_dim3A_541, %select_n3A_535 : vector<16xi1>, vector<16xf32>
    %select_n3A_545 = arith.select %gt3A_542, %select_n3A_538, %select_n3A_544 : vector<16xi1>, vector<16xf32>
    %select_n3A_546 = arith.select %gt3A_543, %get3A_498, %select_n3A_537 : vector<16xi1>, vector<16xf32>
    %select_n3A_547 = arith.select %gt3A_542, %select_n3A_539, %select_n3A_546 : vector<16xi1>, vector<16xf32>
    %select_n3A_548 = arith.select %gt3A_542, %broadcast_in_dim3A_541, %select_n3A_538 : vector<16xi1>, vector<16xf32>
    %select_n3A_549 = arith.select %gt3A_542, %get3A_498, %select_n3A_539 : vector<16xi1>, vector<16xf32>
    %broadcast_in_dim3A_550 = arith.constant 3.000000e+00 : f32
    %broadcast_in_dim3A_551 = vector.broadcast %broadcast_in_dim3A_550 : f32 to vector<16xf32>
    %gt3A_552 = arith.cmpf ogt, %get3A_503, %select_n3A_549 : vector<16xf32>
    %gt3A_553 = arith.cmpf ogt, %get3A_503, %select_n3A_547 : vector<16xf32>
    %select_n3A_554 = arith.select %gt3A_553, %broadcast_in_dim3A_551, %select_n3A_545 : vector<16xi1>, vector<16xf32>
    %select_n3A_555 = arith.select %gt3A_552, %select_n3A_548, %select_n3A_554 : vector<16xi1>, vector<16xf32>
    %select_n3A_556 = arith.select %gt3A_553, %get3A_503, %select_n3A_547 : vector<16xi1>, vector<16xf32>
    %select_n3A_557 = arith.select %gt3A_552, %select_n3A_549, %select_n3A_556 : vector<16xi1>, vector<16xf32>
    %select_n3A_558 = arith.select %gt3A_552, %broadcast_in_dim3A_551, %select_n3A_548 : vector<16xi1>, vector<16xf32>
    %select_n3A_559 = arith.select %gt3A_552, %get3A_503, %select_n3A_549 : vector<16xi1>, vector<16xf32>
    %broadcast_in_dim3A_560 = arith.constant 4.000000e+00 : f32
    %broadcast_in_dim3A_561 = vector.broadcast %broadcast_in_dim3A_560 : f32 to vector<16xf32>
    %gt3A_562 = arith.cmpf ogt, %get3A_508, %select_n3A_559 : vector<16xf32>
    %gt3A_563 = arith.cmpf ogt, %get3A_508, %select_n3A_557 : vector<16xf32>
    %select_n3A_564 = arith.select %gt3A_563, %broadcast_in_dim3A_561, %select_n3A_555 : vector<16xi1>, vector<16xf32>
    %select_n3A_565 = arith.select %gt3A_562, %select_n3A_558, %select_n3A_564 : vector<16xi1>, vector<16xf32>
    %select_n3A_566 = arith.select %gt3A_563, %get3A_508, %select_n3A_557 : vector<16xi1>, vector<16xf32>
    %select_n3A_567 = arith.select %gt3A_562, %select_n3A_559, %select_n3A_566 : vector<16xi1>, vector<16xf32>
    %select_n3A_568 = arith.select %gt3A_562, %broadcast_in_dim3A_561, %select_n3A_558 : vector<16xi1>, vector<16xf32>
    %select_n3A_569 = arith.select %gt3A_562, %get3A_508, %select_n3A_559 : vector<16xi1>, vector<16xf32>
    %broadcast_in_dim3A_570 = arith.constant 5.000000e+00 : f32
    %broadcast_in_dim3A_571 = vector.broadcast %broadcast_in_dim3A_570 : f32 to vector<16xf32>
    %gt3A_572 = arith.cmpf ogt, %get3A_513, %select_n3A_569 : vector<16xf32>
    %gt3A_573 = arith.cmpf ogt, %get3A_513, %select_n3A_567 : vector<16xf32>
    %select_n3A_574 = arith.select %gt3A_573, %broadcast_in_dim3A_571, %select_n3A_565 : vector<16xi1>, vector<16xf32>
    %select_n3A_575 = arith.select %gt3A_572, %select_n3A_568, %select_n3A_574 : vector<16xi1>, vector<16xf32>
    %select_n3A_576 = arith.select %gt3A_573, %get3A_513, %select_n3A_567 : vector<16xi1>, vector<16xf32>
    %select_n3A_577 = arith.select %gt3A_572, %select_n3A_569, %select_n3A_576 : vector<16xi1>, vector<16xf32>
    %select_n3A_578 = arith.select %gt3A_572, %broadcast_in_dim3A_571, %select_n3A_568 : vector<16xi1>, vector<16xf32>
    %select_n3A_579 = arith.select %gt3A_572, %get3A_513, %select_n3A_569 : vector<16xi1>, vector<16xf32>
    %broadcast_in_dim3A_580 = arith.constant 6.000000e+00 : f32
    %broadcast_in_dim3A_581 = vector.broadcast %broadcast_in_dim3A_580 : f32 to vector<16xf32>
    %gt3A_582 = arith.cmpf ogt, %get3A_518, %select_n3A_579 : vector<16xf32>
    %gt3A_583 = arith.cmpf ogt, %get3A_518, %select_n3A_577 : vector<16xf32>
    %select_n3A_584 = arith.select %gt3A_583, %broadcast_in_dim3A_581, %select_n3A_575 : vector<16xi1>, vector<16xf32>
    %select_n3A_585 = arith.select %gt3A_582, %select_n3A_578, %select_n3A_584 : vector<16xi1>, vector<16xf32>
    %select_n3A_586 = arith.select %gt3A_583, %get3A_518, %select_n3A_577 : vector<16xi1>, vector<16xf32>
    %select_n3A_587 = arith.select %gt3A_582, %select_n3A_579, %select_n3A_586 : vector<16xi1>, vector<16xf32>
    %select_n3A_588 = arith.select %gt3A_582, %broadcast_in_dim3A_581, %select_n3A_578 : vector<16xi1>, vector<16xf32>
    %select_n3A_589 = arith.select %gt3A_582, %get3A_518, %select_n3A_579 : vector<16xi1>, vector<16xf32>
    %broadcast_in_dim3A_590 = arith.constant 7.000000e+00 : f32
    %broadcast_in_dim3A_591 = vector.broadcast %broadcast_in_dim3A_590 : f32 to vector<16xf32>
    %gt3A_592 = arith.cmpf ogt, %get3A_523, %select_n3A_589 : vector<16xf32>
    %gt3A_593 = arith.cmpf ogt, %get3A_523, %select_n3A_587 : vector<16xf32>
    %select_n3A_594 = arith.select %gt3A_593, %broadcast_in_dim3A_591, %select_n3A_585 : vector<16xi1>, vector<16xf32>
    %select_n3A_595 = arith.select %gt3A_592, %select_n3A_588, %select_n3A_594 : vector<16xi1>, vector<16xf32>
    %select_n3A_596 = arith.select %gt3A_593, %get3A_523, %select_n3A_587 : vector<16xi1>, vector<16xf32>
    %select_n3A_597 = arith.select %gt3A_592, %select_n3A_589, %select_n3A_596 : vector<16xi1>, vector<16xf32>
    %select_n3A_598 = arith.select %gt3A_592, %broadcast_in_dim3A_591, %select_n3A_588 : vector<16xi1>, vector<16xf32>
    %select_n3A_599 = arith.select %gt3A_592, %get3A_523, %select_n3A_589 : vector<16xi1>, vector<16xf32>
    %sub3A_600 = arith.subf %get3A_488, %select_n3A_599 : vector<16xf32>
    %exp3A_601 = math.exp %sub3A_600 : vector<16xf32>
    %sub3A_602 = arith.subf %get3A_493, %select_n3A_599 : vector<16xf32>
    %exp3A_603 = math.exp %sub3A_602 : vector<16xf32>
    %add3A_604 = arith.addf %exp3A_601, %exp3A_603 : vector<16xf32>
    %sub3A_605 = arith.subf %get3A_498, %select_n3A_599 : vector<16xf32>
    %exp3A_606 = math.exp %sub3A_605 : vector<16xf32>
    %add3A_607 = arith.addf %add3A_604, %exp3A_606 : vector<16xf32>
    %sub3A_608 = arith.subf %get3A_503, %select_n3A_599 : vector<16xf32>
    %exp3A_609 = math.exp %sub3A_608 : vector<16xf32>
    %add3A_610 = arith.addf %add3A_607, %exp3A_609 : vector<16xf32>
    %sub3A_611 = arith.subf %get3A_508, %select_n3A_599 : vector<16xf32>
    %exp3A_612 = math.exp %sub3A_611 : vector<16xf32>
    %add3A_613 = arith.addf %add3A_610, %exp3A_612 : vector<16xf32>
    %sub3A_614 = arith.subf %get3A_513, %select_n3A_599 : vector<16xf32>
    %exp3A_615 = math.exp %sub3A_614 : vector<16xf32>
    %add3A_616 = arith.addf %add3A_613, %exp3A_615 : vector<16xf32>
    %sub3A_617 = arith.subf %get3A_518, %select_n3A_599 : vector<16xf32>
    %exp3A_618 = math.exp %sub3A_617 : vector<16xf32>
    %add3A_619 = arith.addf %add3A_616, %exp3A_618 : vector<16xf32>
    %sub3A_620 = arith.subf %get3A_523, %select_n3A_599 : vector<16xf32>
    %exp3A_621 = math.exp %sub3A_620 : vector<16xf32>
    %add3A_622 = arith.addf %add3A_619, %exp3A_621 : vector<16xf32>
    %sub3A_623 = arith.subf %select_n3A_597, %select_n3A_599 : vector<16xf32>
    %exp3A_624 = math.exp %sub3A_623 : vector<16xf32>
    %add3A_625 = arith.constant 1.000000e+00 : f32
    %add3A_626 = vector.broadcast %add3A_625 : f32 to vector<16xf32>
    %add3A_627 = arith.addf %add3A_626, %exp3A_624 : vector<16xf32>
    %div3A_628 = arith.divf %add3A_627, %add3A_622 : vector<16xf32>
    %swap3A_629 = arith.constant 0 : i32
    %swap3A_630 = arith.index_cast %swap3A_629 : i32 to index
    %swap3A_631 = arith.constant 48 : index
    %swap3A_632 = tpu.vector_load %arg5[%swap3A_630, %swap3A_631] {strides = array<i32>} : memref<1x128xf32, #tpu.memory_space<vmem>>, vector<1x16xf32>,
    %swap3A_633 = vector.shape_cast %swap3A_632 : vector<1x16xf32> to vector<16xf32>
    %swap3A_634 = vector.shape_cast %select_n3A_598 : vector<16xf32> to vector<1x16xf32>
    tpu.vector_store %arg5[%swap3A_630, %swap3A_631], %swap3A_634 {strides = array<i32>} : memref<1x128xf32, #tpu.memory_space<vmem>>, vector<1x16xf32>,
    %swap3A_635 = arith.constant 0 : i32
    %swap3A_636 = arith.index_cast %swap3A_635 : i32 to index
    %swap3A_637 = arith.constant 48 : index
    %swap3A_638 = tpu.vector_load %arg6[%swap3A_636, %swap3A_637] {strides = array<i32>} : memref<1x128xf32, #tpu.memory_space<vmem>>, vector<1x16xf32>,
    %swap3A_639 = vector.shape_cast %swap3A_638 : vector<1x16xf32> to vector<16xf32>
    %swap3A_640 = vector.shape_cast %select_n3A_595 : vector<16xf32> to vector<1x16xf32>
    tpu.vector_store %arg6[%swap3A_636, %swap3A_637], %swap3A_640 {strides = array<i32>} : memref<1x128xf32, #tpu.memory_space<vmem>>, vector<1x16xf32>,
    %swap3A_641 = arith.constant 0 : i32
    %swap3A_642 = arith.index_cast %swap3A_641 : i32 to index
    %swap3A_643 = arith.constant 48 : index
    %swap3A_644 = tpu.vector_load %arg7[%swap3A_642, %swap3A_643] {strides = array<i32>} : memref<1x128xf32, #tpu.memory_space<vmem>>, vector<1x16xf32>,
    %swap3A_645 = vector.shape_cast %swap3A_644 : vector<1x16xf32> to vector<16xf32>
    %swap3A_646 = vector.shape_cast %div3A_628 : vector<16xf32> to vector<1x16xf32>
    tpu.vector_store %arg7[%swap3A_642, %swap3A_643], %swap3A_646 {strides = array<i32>} : memref<1x128xf32, #tpu.memory_space<vmem>>, vector<1x16xf32>,
    %get3A_647 = arith.constant 0 : i32
    %get3A_648 = arith.index_cast %get3A_647 : i32 to index
    %get3A_649 = arith.constant 64 : index
    %get3A_650 = tpu.vector_load %arg4[%get3A_648, %get3A_649] {strides = array<i32>} : memref<8x128xf32, #tpu.memory_space<vmem>>, vector<1x16xf32>,
    %get3A_651 = vector.shape_cast %get3A_650 : vector<1x16xf32> to vector<16xf32>
    %get3A_652 = arith.constant 1 : i32
    %get3A_653 = arith.index_cast %get3A_652 : i32 to index
    %get3A_654 = arith.constant 64 : index
    %get3A_655 = tpu.vector_load %arg4[%get3A_653, %get3A_654] {strides = array<i32>} : memref<8x128xf32, #tpu.memory_space<vmem>>, vector<1x16xf32>,
    %get3A_656 = vector.shape_cast %get3A_655 : vector<1x16xf32> to vector<16xf32>
    %get3A_657 = arith.constant 2 : i32
    %get3A_658 = arith.index_cast %get3A_657 : i32 to index
    %get3A_659 = arith.constant 64 : index
    %get3A_660 = tpu.vector_load %arg4[%get3A_658, %get3A_659] {strides = array<i32>} : memref<8x128xf32, #tpu.memory_space<vmem>>, vector<1x16xf32>,
    %get3A_661 = vector.shape_cast %get3A_660 : vector<1x16xf32> to vector<16xf32>
    %get3A_662 = arith.constant 3 : i32
    %get3A_663 = arith.index_cast %get3A_662 : i32 to index
    %get3A_664 = arith.constant 64 : index
    %get3A_665 = tpu.vector_load %arg4[%get3A_663, %get3A_664] {strides = array<i32>} : memref<8x128xf32, #tpu.memory_space<vmem>>, vector<1x16xf32>,
    %get3A_666 = vector.shape_cast %get3A_665 : vector<1x16xf32> to vector<16xf32>
    %get3A_667 = arith.constant 4 : i32
    %get3A_668 = arith.index_cast %get3A_667 : i32 to index
    %get3A_669 = arith.constant 64 : index
    %get3A_670 = tpu.vector_load %arg4[%get3A_668, %get3A_669] {strides = array<i32>} : memref<8x128xf32, #tpu.memory_space<vmem>>, vector<1x16xf32>,
    %get3A_671 = vector.shape_cast %get3A_670 : vector<1x16xf32> to vector<16xf32>
    %get3A_672 = arith.constant 5 : i32
    %get3A_673 = arith.index_cast %get3A_672 : i32 to index
    %get3A_674 = arith.constant 64 : index
    %get3A_675 = tpu.vector_load %arg4[%get3A_673, %get3A_674] {strides = array<i32>} : memref<8x128xf32, #tpu.memory_space<vmem>>, vector<1x16xf32>,
    %get3A_676 = vector.shape_cast %get3A_675 : vector<1x16xf32> to vector<16xf32>
    %get3A_677 = arith.constant 6 : i32
    %get3A_678 = arith.index_cast %get3A_677 : i32 to index
    %get3A_679 = arith.constant 64 : index
    %get3A_680 = tpu.vector_load %arg4[%get3A_678, %get3A_679] {strides = array<i32>} : memref<8x128xf32, #tpu.memory_space<vmem>>, vector<1x16xf32>,
    %get3A_681 = vector.shape_cast %get3A_680 : vector<1x16xf32> to vector<16xf32>
    %get3A_682 = arith.constant 7 : i32
    %get3A_683 = arith.index_cast %get3A_682 : i32 to index
    %get3A_684 = arith.constant 64 : index
    %get3A_685 = tpu.vector_load %arg4[%get3A_683, %get3A_684] {strides = array<i32>} : memref<8x128xf32, #tpu.memory_space<vmem>>, vector<1x16xf32>,
    %get3A_686 = vector.shape_cast %get3A_685 : vector<1x16xf32> to vector<16xf32>
    %broadcast_in_dim3A_687 = arith.constant 0.000000e+00 : f32
    %broadcast_in_dim3A_688 = vector.broadcast %broadcast_in_dim3A_687 : f32 to vector<16xf32>
    %broadcast_in_dim3A_689 = arith.constant -3.000000e+38 : f32
    %broadcast_in_dim3A_690 = vector.broadcast %broadcast_in_dim3A_689 : f32 to vector<16xf32>
    %broadcast_in_dim3A_691 = arith.constant 0.000000e+00 : f32
    %broadcast_in_dim3A_692 = vector.broadcast %broadcast_in_dim3A_691 : f32 to vector<16xf32>
    %broadcast_in_dim3A_693 = arith.constant 1.000000e+00 : f32
    %broadcast_in_dim3A_694 = vector.broadcast %broadcast_in_dim3A_693 : f32 to vector<16xf32>
    %gt3A_695 = arith.cmpf ogt, %get3A_656, %get3A_651 : vector<16xf32>
    %gt3A_696 = arith.cmpf ogt, %get3A_656, %broadcast_in_dim3A_690 : vector<16xf32>
    %select_n3A_697 = arith.select %gt3A_696, %broadcast_in_dim3A_694, %broadcast_in_dim3A_692 : vector<16xi1>, vector<16xf32>
    %select_n3A_698 = arith.select %gt3A_695, %broadcast_in_dim3A_688, %select_n3A_697 : vector<16xi1>, vector<16xf32>
    %select_n3A_699 = arith.select %gt3A_696, %get3A_656, %broadcast_in_dim3A_690 : vector<16xi1>, vector<16xf32>
    %select_n3A_700 = arith.select %gt3A_695, %get3A_651, %select_n3A_699 : vector<16xi1>, vector<16xf32>
    %select_n3A_701 = arith.select %gt3A_695, %broadcast_in_dim3A_694, %broadcast_in_dim3A_688 : vector<16xi1>, vector<16xf32>
    %select_n3A_702 = arith.select %gt3A_695, %get3A_656, %get3A_651 : vector<16xi1>, vector<16xf32>
    %broadcast_in_dim3A_703 = arith.constant 2.000000e+00 : f32
    %broadcast_in_dim3A_704 = vector.broadcast %broadcast_in_dim3A_703 : f32 to vector<16xf32>
    %gt3A_705 = arith.cmpf ogt, %get3A_661, %select_n3A_702 : vector<16xf32>
    %gt3A_706 = arith.cmpf ogt, %get3A_661, %select_n3A_700 : vector<16xf32>
    %select_n3A_707 = arith.select %gt3A_706, %broadcast_in_dim3A_704, %select_n3A_698 : vector<16xi1>, vector<16xf32>
    %select_n3A_708 = arith.select %gt3A_705, %select_n3A_701, %select_n3A_707 : vector<16xi1>, vector<16xf32>
    %select_n3A_709 = arith.select %gt3A_706, %get3A_661, %select_n3A_700 : vector<16xi1>, vector<16xf32>
    %select_n3A_710 = arith.select %gt3A_705, %select_n3A_702, %select_n3A_709 : vector<16xi1>, vector<16xf32>
    %select_n3A_711 = arith.select %gt3A_705, %broadcast_in_dim3A_704, %select_n3A_701 : vector<16xi1>, vector<16xf32>
    %select_n3A_712 = arith.select %gt3A_705, %get3A_661, %select_n3A_702 : vector<16xi1>, vector<16xf32>
    %broadcast_in_dim3A_713 = arith.constant 3.000000e+00 : f32
    %broadcast_in_dim3A_714 = vector.broadcast %broadcast_in_dim3A_713 : f32 to vector<16xf32>
    %gt3A_715 = arith.cmpf ogt, %get3A_666, %select_n3A_712 : vector<16xf32>
    %gt3A_716 = arith.cmpf ogt, %get3A_666, %select_n3A_710 : vector<16xf32>
    %select_n3A_717 = arith.select %gt3A_716, %broadcast_in_dim3A_714, %select_n3A_708 : vector<16xi1>, vector<16xf32>
    %select_n3A_718 = arith.select %gt3A_715, %select_n3A_711, %select_n3A_717 : vector<16xi1>, vector<16xf32>
    %select_n3A_719 = arith.select %gt3A_716, %get3A_666, %select_n3A_710 : vector<16xi1>, vector<16xf32>
    %select_n3A_720 = arith.select %gt3A_715, %select_n3A_712, %select_n3A_719 : vector<16xi1>, vector<16xf32>
    %select_n3A_721 = arith.select %gt3A_715, %broadcast_in_dim3A_714, %select_n3A_711 : vector<16xi1>, vector<16xf32>
    %select_n3A_722 = arith.select %gt3A_715, %get3A_666, %select_n3A_712 : vector<16xi1>, vector<16xf32>
    %broadcast_in_dim3A_723 = arith.constant 4.000000e+00 : f32
    %broadcast_in_dim3A_724 = vector.broadcast %broadcast_in_dim3A_723 : f32 to vector<16xf32>
    %gt3A_725 = arith.cmpf ogt, %get3A_671, %select_n3A_722 : vector<16xf32>
    %gt3A_726 = arith.cmpf ogt, %get3A_671, %select_n3A_720 : vector<16xf32>
    %select_n3A_727 = arith.select %gt3A_726, %broadcast_in_dim3A_724, %select_n3A_718 : vector<16xi1>, vector<16xf32>
    %select_n3A_728 = arith.select %gt3A_725, %select_n3A_721, %select_n3A_727 : vector<16xi1>, vector<16xf32>
    %select_n3A_729 = arith.select %gt3A_726, %get3A_671, %select_n3A_720 : vector<16xi1>, vector<16xf32>
    %select_n3A_730 = arith.select %gt3A_725, %select_n3A_722, %select_n3A_729 : vector<16xi1>, vector<16xf32>
    %select_n3A_731 = arith.select %gt3A_725, %broadcast_in_dim3A_724, %select_n3A_721 : vector<16xi1>, vector<16xf32>
    %select_n3A_732 = arith.select %gt3A_725, %get3A_671, %select_n3A_722 : vector<16xi1>, vector<16xf32>
    %broadcast_in_dim3A_733 = arith.constant 5.000000e+00 : f32
    %broadcast_in_dim3A_734 = vector.broadcast %broadcast_in_dim3A_733 : f32 to vector<16xf32>
    %gt3A_735 = arith.cmpf ogt, %get3A_676, %select_n3A_732 : vector<16xf32>
    %gt3A_736 = arith.cmpf ogt, %get3A_676, %select_n3A_730 : vector<16xf32>
    %select_n3A_737 = arith.select %gt3A_736, %broadcast_in_dim3A_734, %select_n3A_728 : vector<16xi1>, vector<16xf32>
    %select_n3A_738 = arith.select %gt3A_735, %select_n3A_731, %select_n3A_737 : vector<16xi1>, vector<16xf32>
    %select_n3A_739 = arith.select %gt3A_736, %get3A_676, %select_n3A_730 : vector<16xi1>, vector<16xf32>
    %select_n3A_740 = arith.select %gt3A_735, %select_n3A_732, %select_n3A_739 : vector<16xi1>, vector<16xf32>
    %select_n3A_741 = arith.select %gt3A_735, %broadcast_in_dim3A_734, %select_n3A_731 : vector<16xi1>, vector<16xf32>
    %select_n3A_742 = arith.select %gt3A_735, %get3A_676, %select_n3A_732 : vector<16xi1>, vector<16xf32>
    %broadcast_in_dim3A_743 = arith.constant 6.000000e+00 : f32
    %broadcast_in_dim3A_744 = vector.broadcast %broadcast_in_dim3A_743 : f32 to vector<16xf32>
    %gt3A_745 = arith.cmpf ogt, %get3A_681, %select_n3A_742 : vector<16xf32>
    %gt3A_746 = arith.cmpf ogt, %get3A_681, %select_n3A_740 : vector<16xf32>
    %select_n3A_747 = arith.select %gt3A_746, %broadcast_in_dim3A_744, %select_n3A_738 : vector<16xi1>, vector<16xf32>
    %select_n3A_748 = arith.select %gt3A_745, %select_n3A_741, %select_n3A_747 : vector<16xi1>, vector<16xf32>
    %select_n3A_749 = arith.select %gt3A_746, %get3A_681, %select_n3A_740 : vector<16xi1>, vector<16xf32>
    %select_n3A_750 = arith.select %gt3A_745, %select_n3A_742, %select_n3A_749 : vector<16xi1>, vector<16xf32>
    %select_n3A_751 = arith.select %gt3A_745, %broadcast_in_dim3A_744, %select_n3A_741 : vector<16xi1>, vector<16xf32>
    %select_n3A_752 = arith.select %gt3A_745, %get3A_681, %select_n3A_742 : vector<16xi1>, vector<16xf32>
    %broadcast_in_dim3A_753 = arith.constant 7.000000e+00 : f32
    %broadcast_in_dim3A_754 = vector.broadcast %broadcast_in_dim3A_753 : f32 to vector<16xf32>
    %gt3A_755 = arith.cmpf ogt, %get3A_686, %select_n3A_752 : vector<16xf32>
    %gt3A_756 = arith.cmpf ogt, %get3A_686, %select_n3A_750 : vector<16xf32>
    %select_n3A_757 = arith.select %gt3A_756, %broadcast_in_dim3A_754, %select_n3A_748 : vector<16xi1>, vector<16xf32>
    %select_n3A_758 = arith.select %gt3A_755, %select_n3A_751, %select_n3A_757 : vector<16xi1>, vector<16xf32>
    %select_n3A_759 = arith.select %gt3A_756, %get3A_686, %select_n3A_750 : vector<16xi1>, vector<16xf32>
    %select_n3A_760 = arith.select %gt3A_755, %select_n3A_752, %select_n3A_759 : vector<16xi1>, vector<16xf32>
    %select_n3A_761 = arith.select %gt3A_755, %broadcast_in_dim3A_754, %select_n3A_751 : vector<16xi1>, vector<16xf32>
    %select_n3A_762 = arith.select %gt3A_755, %get3A_686, %select_n3A_752 : vector<16xi1>, vector<16xf32>
    %sub3A_763 = arith.subf %get3A_651, %select_n3A_762 : vector<16xf32>
    %exp3A_764 = math.exp %sub3A_763 : vector<16xf32>
    %sub3A_765 = arith.subf %get3A_656, %select_n3A_762 : vector<16xf32>
    %exp3A_766 = math.exp %sub3A_765 : vector<16xf32>
    %add3A_767 = arith.addf %exp3A_764, %exp3A_766 : vector<16xf32>
    %sub3A_768 = arith.subf %get3A_661, %select_n3A_762 : vector<16xf32>
    %exp3A_769 = math.exp %sub3A_768 : vector<16xf32>
    %add3A_770 = arith.addf %add3A_767, %exp3A_769 : vector<16xf32>
    %sub3A_771 = arith.subf %get3A_666, %select_n3A_762 : vector<16xf32>
    %exp3A_772 = math.exp %sub3A_771 : vector<16xf32>
    %add3A_773 = arith.addf %add3A_770, %exp3A_772 : vector<16xf32>
    %sub3A_774 = arith.subf %get3A_671, %select_n3A_762 : vector<16xf32>
    %exp3A_775 = math.exp %sub3A_774 : vector<16xf32>
    %add3A_776 = arith.addf %add3A_773, %exp3A_775 : vector<16xf32>
    %sub3A_777 = arith.subf %get3A_676, %select_n3A_762 : vector<16xf32>
    %exp3A_778 = math.exp %sub3A_777 : vector<16xf32>
    %add3A_779 = arith.addf %add3A_776, %exp3A_778 : vector<16xf32>
    %sub3A_780 = arith.subf %get3A_681, %select_n3A_762 : vector<16xf32>
    %exp3A_781 = math.exp %sub3A_780 : vector<16xf32>
    %add3A_782 = arith.addf %add3A_779, %exp3A_781 : vector<16xf32>
    %sub3A_783 = arith.subf %get3A_686, %select_n3A_762 : vector<16xf32>
    %exp3A_784 = math.exp %sub3A_783 : vector<16xf32>
    %add3A_785 = arith.addf %add3A_782, %exp3A_784 : vector<16xf32>
    %sub3A_786 = arith.subf %select_n3A_760, %select_n3A_762 : vector<16xf32>
    %exp3A_787 = math.exp %sub3A_786 : vector<16xf32>
    %add3A_788 = arith.constant 1.000000e+00 : f32
    %add3A_789 = vector.broadcast %add3A_788 : f32 to vector<16xf32>
    %add3A_790 = arith.addf %add3A_789, %exp3A_787 : vector<16xf32>
    %div3A_791 = arith.divf %add3A_790, %add3A_785 : vector<16xf32>
    %swap3A_792 = arith.constant 0 : i32
    %swap3A_793 = arith.index_cast %swap3A_792 : i32 to index
    %swap3A_794 = arith.constant 64 : index
    %swap3A_795 = tpu.vector_load %arg5[%swap3A_793, %swap3A_794] {strides = array<i32>} : memref<1x128xf32, #tpu.memory_space<vmem>>, vector<1x16xf32>,
    %swap3A_796 = vector.shape_cast %swap3A_795 : vector<1x16xf32> to vector<16xf32>
    %swap3A_797 = vector.shape_cast %select_n3A_761 : vector<16xf32> to vector<1x16xf32>
    tpu.vector_store %arg5[%swap3A_793, %swap3A_794], %swap3A_797 {strides = array<i32>} : memref<1x128xf32, #tpu.memory_space<vmem>>, vector<1x16xf32>,
    %swap3A_798 = arith.constant 0 : i32
    %swap3A_799 = arith.index_cast %swap3A_798 : i32 to index
    %swap3A_800 = arith.constant 64 : index
    %swap3A_801 = tpu.vector_load %arg6[%swap3A_799, %swap3A_800] {strides = array<i32>} : memref<1x128xf32, #tpu.memory_space<vmem>>, vector<1x16xf32>,
    %swap3A_802 = vector.shape_cast %swap3A_801 : vector<1x16xf32> to vector<16xf32>
    %swap3A_803 = vector.shape_cast %select_n3A_758 : vector<16xf32> to vector<1x16xf32>
    tpu.vector_store %arg6[%swap3A_799, %swap3A_800], %swap3A_803 {strides = array<i32>} : memref<1x128xf32, #tpu.memory_space<vmem>>, vector<1x16xf32>,
    %swap3A_804 = arith.constant 0 : i32
    %swap3A_805 = arith.index_cast %swap3A_804 : i32 to index
    %swap3A_806 = arith.constant 64 : index
    %swap3A_807 = tpu.vector_load %arg7[%swap3A_805, %swap3A_806] {strides = array<i32>} : memref<1x128xf32, #tpu.memory_space<vmem>>, vector<1x16xf32>,
    %swap3A_808 = vector.shape_cast %swap3A_807 : vector<1x16xf32> to vector<16xf32>
    %swap3A_809 = vector.shape_cast %div3A_791 : vector<16xf32> to vector<1x16xf32>
    tpu.vector_store %arg7[%swap3A_805, %swap3A_806], %swap3A_809 {strides = array<i32>} : memref<1x128xf32, #tpu.memory_space<vmem>>, vector<1x16xf32>,
    %get3A_810 = arith.constant 0 : i32
    %get3A_811 = arith.index_cast %get3A_810 : i32 to index
    %get3A_812 = arith.constant 80 : index
    %get3A_813 = tpu.vector_load %arg4[%get3A_811, %get3A_812] {strides = array<i32>} : memref<8x128xf32, #tpu.memory_space<vmem>>, vector<1x16xf32>,
    %get3A_814 = vector.shape_cast %get3A_813 : vector<1x16xf32> to vector<16xf32>
    %get3A_815 = arith.constant 1 : i32
    %get3A_816 = arith.index_cast %get3A_815 : i32 to index
    %get3A_817 = arith.constant 80 : index
    %get3A_818 = tpu.vector_load %arg4[%get3A_816, %get3A_817] {strides = array<i32>} : memref<8x128xf32, #tpu.memory_space<vmem>>, vector<1x16xf32>,
    %get3A_819 = vector.shape_cast %get3A_818 : vector<1x16xf32> to vector<16xf32>
    %get3A_820 = arith.constant 2 : i32
    %get3A_821 = arith.index_cast %get3A_820 : i32 to index
    %get3A_822 = arith.constant 80 : index
    %get3A_823 = tpu.vector_load %arg4[%get3A_821, %get3A_822] {strides = array<i32>} : memref<8x128xf32, #tpu.memory_space<vmem>>, vector<1x16xf32>,
    %get3A_824 = vector.shape_cast %get3A_823 : vector<1x16xf32> to vector<16xf32>
    %get3A_825 = arith.constant 3 : i32
    %get3A_826 = arith.index_cast %get3A_825 : i32 to index
    %get3A_827 = arith.constant 80 : index
    %get3A_828 = tpu.vector_load %arg4[%get3A_826, %get3A_827] {strides = array<i32>} : memref<8x128xf32, #tpu.memory_space<vmem>>, vector<1x16xf32>,
    %get3A_829 = vector.shape_cast %get3A_828 : vector<1x16xf32> to vector<16xf32>
    %get3A_830 = arith.constant 4 : i32
    %get3A_831 = arith.index_cast %get3A_830 : i32 to index
    %get3A_832 = arith.constant 80 : index
    %get3A_833 = tpu.vector_load %arg4[%get3A_831, %get3A_832] {strides = array<i32>} : memref<8x128xf32, #tpu.memory_space<vmem>>, vector<1x16xf32>,
    %get3A_834 = vector.shape_cast %get3A_833 : vector<1x16xf32> to vector<16xf32>
    %get3A_835 = arith.constant 5 : i32
    %get3A_836 = arith.index_cast %get3A_835 : i32 to index
    %get3A_837 = arith.constant 80 : index
    %get3A_838 = tpu.vector_load %arg4[%get3A_836, %get3A_837] {strides = array<i32>} : memref<8x128xf32, #tpu.memory_space<vmem>>, vector<1x16xf32>,
    %get3A_839 = vector.shape_cast %get3A_838 : vector<1x16xf32> to vector<16xf32>
    %get3A_840 = arith.constant 6 : i32
    %get3A_841 = arith.index_cast %get3A_840 : i32 to index
    %get3A_842 = arith.constant 80 : index
    %get3A_843 = tpu.vector_load %arg4[%get3A_841, %get3A_842] {strides = array<i32>} : memref<8x128xf32, #tpu.memory_space<vmem>>, vector<1x16xf32>,
    %get3A_844 = vector.shape_cast %get3A_843 : vector<1x16xf32> to vector<16xf32>
    %get3A_845 = arith.constant 7 : i32
    %get3A_846 = arith.index_cast %get3A_845 : i32 to index
    %get3A_847 = arith.constant 80 : index
    %get3A_848 = tpu.vector_load %arg4[%get3A_846, %get3A_847] {strides = array<i32>} : memref<8x128xf32, #tpu.memory_space<vmem>>, vector<1x16xf32>,
    %get3A_849 = vector.shape_cast %get3A_848 : vector<1x16xf32> to vector<16xf32>
    %broadcast_in_dim3A_850 = arith.constant 0.000000e+00 : f32
    %broadcast_in_dim3A_851 = vector.broadcast %broadcast_in_dim3A_850 : f32 to vector<16xf32>
    %broadcast_in_dim3A_852 = arith.constant -3.000000e+38 : f32
    %broadcast_in_dim3A_853 = vector.broadcast %broadcast_in_dim3A_852 : f32 to vector<16xf32>
    %broadcast_in_dim3A_854 = arith.constant 0.000000e+00 : f32
    %broadcast_in_dim3A_855 = vector.broadcast %broadcast_in_dim3A_854 : f32 to vector<16xf32>
    %broadcast_in_dim3A_856 = arith.constant 1.000000e+00 : f32
    %broadcast_in_dim3A_857 = vector.broadcast %broadcast_in_dim3A_856 : f32 to vector<16xf32>
    %gt3A_858 = arith.cmpf ogt, %get3A_819, %get3A_814 : vector<16xf32>
    %gt3A_859 = arith.cmpf ogt, %get3A_819, %broadcast_in_dim3A_853 : vector<16xf32>
    %select_n3A_860 = arith.select %gt3A_859, %broadcast_in_dim3A_857, %broadcast_in_dim3A_855 : vector<16xi1>, vector<16xf32>
    %select_n3A_861 = arith.select %gt3A_858, %broadcast_in_dim3A_851, %select_n3A_860 : vector<16xi1>, vector<16xf32>
    %select_n3A_862 = arith.select %gt3A_859, %get3A_819, %broadcast_in_dim3A_853 : vector<16xi1>, vector<16xf32>
    %select_n3A_863 = arith.select %gt3A_858, %get3A_814, %select_n3A_862 : vector<16xi1>, vector<16xf32>
    %select_n3A_864 = arith.select %gt3A_858, %broadcast_in_dim3A_857, %broadcast_in_dim3A_851 : vector<16xi1>, vector<16xf32>
    %select_n3A_865 = arith.select %gt3A_858, %get3A_819, %get3A_814 : vector<16xi1>, vector<16xf32>
    %broadcast_in_dim3A_866 = arith.constant 2.000000e+00 : f32
    %broadcast_in_dim3A_867 = vector.broadcast %broadcast_in_dim3A_866 : f32 to vector<16xf32>
    %gt3A_868 = arith.cmpf ogt, %get3A_824, %select_n3A_865 : vector<16xf32>
    %gt3A_869 = arith.cmpf ogt, %get3A_824, %select_n3A_863 : vector<16xf32>
    %select_n3A_870 = arith.select %gt3A_869, %broadcast_in_dim3A_867, %select_n3A_861 : vector<16xi1>, vector<16xf32>
    %select_n3A_871 = arith.select %gt3A_868, %select_n3A_864, %select_n3A_870 : vector<16xi1>, vector<16xf32>
    %select_n3A_872 = arith.select %gt3A_869, %get3A_824, %select_n3A_863 : vector<16xi1>, vector<16xf32>
    %select_n3A_873 = arith.select %gt3A_868, %select_n3A_865, %select_n3A_872 : vector<16xi1>, vector<16xf32>
    %select_n3A_874 = arith.select %gt3A_868, %broadcast_in_dim3A_867, %select_n3A_864 : vector<16xi1>, vector<16xf32>
    %select_n3A_875 = arith.select %gt3A_868, %get3A_824, %select_n3A_865 : vector<16xi1>, vector<16xf32>
    %broadcast_in_dim3A_876 = arith.constant 3.000000e+00 : f32
    %broadcast_in_dim3A_877 = vector.broadcast %broadcast_in_dim3A_876 : f32 to vector<16xf32>
    %gt3A_878 = arith.cmpf ogt, %get3A_829, %select_n3A_875 : vector<16xf32>
    %gt3A_879 = arith.cmpf ogt, %get3A_829, %select_n3A_873 : vector<16xf32>
    %select_n3A_880 = arith.select %gt3A_879, %broadcast_in_dim3A_877, %select_n3A_871 : vector<16xi1>, vector<16xf32>
    %select_n3A_881 = arith.select %gt3A_878, %select_n3A_874, %select_n3A_880 : vector<16xi1>, vector<16xf32>
    %select_n3A_882 = arith.select %gt3A_879, %get3A_829, %select_n3A_873 : vector<16xi1>, vector<16xf32>
    %select_n3A_883 = arith.select %gt3A_878, %select_n3A_875, %select_n3A_882 : vector<16xi1>, vector<16xf32>
    %select_n3A_884 = arith.select %gt3A_878, %broadcast_in_dim3A_877, %select_n3A_874 : vector<16xi1>, vector<16xf32>
    %select_n3A_885 = arith.select %gt3A_878, %get3A_829, %select_n3A_875 : vector<16xi1>, vector<16xf32>
    %broadcast_in_dim3A_886 = arith.constant 4.000000e+00 : f32
    %broadcast_in_dim3A_887 = vector.broadcast %broadcast_in_dim3A_886 : f32 to vector<16xf32>
    %gt3A_888 = arith.cmpf ogt, %get3A_834, %select_n3A_885 : vector<16xf32>
    %gt3A_889 = arith.cmpf ogt, %get3A_834, %select_n3A_883 : vector<16xf32>
    %select_n3A_890 = arith.select %gt3A_889, %broadcast_in_dim3A_887, %select_n3A_881 : vector<16xi1>, vector<16xf32>
    %select_n3A_891 = arith.select %gt3A_888, %select_n3A_884, %select_n3A_890 : vector<16xi1>, vector<16xf32>
    %select_n3A_892 = arith.select %gt3A_889, %get3A_834, %select_n3A_883 : vector<16xi1>, vector<16xf32>
    %select_n3A_893 = arith.select %gt3A_888, %select_n3A_885, %select_n3A_892 : vector<16xi1>, vector<16xf32>
    %select_n3A_894 = arith.select %gt3A_888, %broadcast_in_dim3A_887, %select_n3A_884 : vector<16xi1>, vector<16xf32>
    %select_n3A_895 = arith.select %gt3A_888, %get3A_834, %select_n3A_885 : vector<16xi1>, vector<16xf32>
    %broadcast_in_dim3A_896 = arith.constant 5.000000e+00 : f32
    %broadcast_in_dim3A_897 = vector.broadcast %broadcast_in_dim3A_896 : f32 to vector<16xf32>
    %gt3A_898 = arith.cmpf ogt, %get3A_839, %select_n3A_895 : vector<16xf32>
    %gt3A_899 = arith.cmpf ogt, %get3A_839, %select_n3A_893 : vector<16xf32>
    %select_n3A_900 = arith.select %gt3A_899, %broadcast_in_dim3A_897, %select_n3A_891 : vector<16xi1>, vector<16xf32>
    %select_n3A_901 = arith.select %gt3A_898, %select_n3A_894, %select_n3A_900 : vector<16xi1>, vector<16xf32>
    %select_n3A_902 = arith.select %gt3A_899, %get3A_839, %select_n3A_893 : vector<16xi1>, vector<16xf32>
    %select_n3A_903 = arith.select %gt3A_898, %select_n3A_895, %select_n3A_902 : vector<16xi1>, vector<16xf32>
    %select_n3A_904 = arith.select %gt3A_898, %broadcast_in_dim3A_897, %select_n3A_894 : vector<16xi1>, vector<16xf32>
    %select_n3A_905 = arith.select %gt3A_898, %get3A_839, %select_n3A_895 : vector<16xi1>, vector<16xf32>
    %broadcast_in_dim3A_906 = arith.constant 6.000000e+00 : f32
    %broadcast_in_dim3A_907 = vector.broadcast %broadcast_in_dim3A_906 : f32 to vector<16xf32>
    %gt3A_908 = arith.cmpf ogt, %get3A_844, %select_n3A_905 : vector<16xf32>
    %gt3A_909 = arith.cmpf ogt, %get3A_844, %select_n3A_903 : vector<16xf32>
    %select_n3A_910 = arith.select %gt3A_909, %broadcast_in_dim3A_907, %select_n3A_901 : vector<16xi1>, vector<16xf32>
    %select_n3A_911 = arith.select %gt3A_908, %select_n3A_904, %select_n3A_910 : vector<16xi1>, vector<16xf32>
    %select_n3A_912 = arith.select %gt3A_909, %get3A_844, %select_n3A_903 : vector<16xi1>, vector<16xf32>
    %select_n3A_913 = arith.select %gt3A_908, %select_n3A_905, %select_n3A_912 : vector<16xi1>, vector<16xf32>
    %select_n3A_914 = arith.select %gt3A_908, %broadcast_in_dim3A_907, %select_n3A_904 : vector<16xi1>, vector<16xf32>
    %select_n3A_915 = arith.select %gt3A_908, %get3A_844, %select_n3A_905 : vector<16xi1>, vector<16xf32>
    %broadcast_in_dim3A_916 = arith.constant 7.000000e+00 : f32
    %broadcast_in_dim3A_917 = vector.broadcast %broadcast_in_dim3A_916 : f32 to vector<16xf32>
    %gt3A_918 = arith.cmpf ogt, %get3A_849, %select_n3A_915 : vector<16xf32>
    %gt3A_919 = arith.cmpf ogt, %get3A_849, %select_n3A_913 : vector<16xf32>
    %select_n3A_920 = arith.select %gt3A_919, %broadcast_in_dim3A_917, %select_n3A_911 : vector<16xi1>, vector<16xf32>
    %select_n3A_921 = arith.select %gt3A_918, %select_n3A_914, %select_n3A_920 : vector<16xi1>, vector<16xf32>
    %select_n3A_922 = arith.select %gt3A_919, %get3A_849, %select_n3A_913 : vector<16xi1>, vector<16xf32>
    %select_n3A_923 = arith.select %gt3A_918, %select_n3A_915, %select_n3A_922 : vector<16xi1>, vector<16xf32>
    %select_n3A_924 = arith.select %gt3A_918, %broadcast_in_dim3A_917, %select_n3A_914 : vector<16xi1>, vector<16xf32>
    %select_n3A_925 = arith.select %gt3A_918, %get3A_849, %select_n3A_915 : vector<16xi1>, vector<16xf32>
    %sub3A_926 = arith.subf %get3A_814, %select_n3A_925 : vector<16xf32>
    %exp3A_927 = math.exp %sub3A_926 : vector<16xf32>
    %sub3A_928 = arith.subf %get3A_819, %select_n3A_925 : vector<16xf32>
    %exp3A_929 = math.exp %sub3A_928 : vector<16xf32>
    %add3A_930 = arith.addf %exp3A_927, %exp3A_929 : vector<16xf32>
    %sub3A_931 = arith.subf %get3A_824, %select_n3A_925 : vector<16xf32>
    %exp3A_932 = math.exp %sub3A_931 : vector<16xf32>
    %add3A_933 = arith.addf %add3A_930, %exp3A_932 : vector<16xf32>
    %sub3A_934 = arith.subf %get3A_829, %select_n3A_925 : vector<16xf32>
    %exp3A_935 = math.exp %sub3A_934 : vector<16xf32>
    %add3A_936 = arith.addf %add3A_933, %exp3A_935 : vector<16xf32>
    %sub3A_937 = arith.subf %get3A_834, %select_n3A_925 : vector<16xf32>
    %exp3A_938 = math.exp %sub3A_937 : vector<16xf32>
    %add3A_939 = arith.addf %add3A_936, %exp3A_938 : vector<16xf32>
    %sub3A_940 = arith.subf %get3A_839, %select_n3A_925 : vector<16xf32>
    %exp3A_941 = math.exp %sub3A_940 : vector<16xf32>
    %add3A_942 = arith.addf %add3A_939, %exp3A_941 : vector<16xf32>
    %sub3A_943 = arith.subf %get3A_844, %select_n3A_925 : vector<16xf32>
    %exp3A_944 = math.exp %sub3A_943 : vector<16xf32>
    %add3A_945 = arith.addf %add3A_942, %exp3A_944 : vector<16xf32>
    %sub3A_946 = arith.subf %get3A_849, %select_n3A_925 : vector<16xf32>
    %exp3A_947 = math.exp %sub3A_946 : vector<16xf32>
    %add3A_948 = arith.addf %add3A_945, %exp3A_947 : vector<16xf32>
    %sub3A_949 = arith.subf %select_n3A_923, %select_n3A_925 : vector<16xf32>
    %exp3A_950 = math.exp %sub3A_949 : vector<16xf32>
    %add3A_951 = arith.constant 1.000000e+00 : f32
    %add3A_952 = vector.broadcast %add3A_951 : f32 to vector<16xf32>
    %add3A_953 = arith.addf %add3A_952, %exp3A_950 : vector<16xf32>
    %div3A_954 = arith.divf %add3A_953, %add3A_948 : vector<16xf32>
    %swap3A_955 = arith.constant 0 : i32
    %swap3A_956 = arith.index_cast %swap3A_955 : i32 to index
    %swap3A_957 = arith.constant 80 : index
    %swap3A_958 = tpu.vector_load %arg5[%swap3A_956, %swap3A_957] {strides = array<i32>} : memref<1x128xf32, #tpu.memory_space<vmem>>, vector<1x16xf32>,
    %swap3A_959 = vector.shape_cast %swap3A_958 : vector<1x16xf32> to vector<16xf32>
    %swap3A_960 = vector.shape_cast %select_n3A_924 : vector<16xf32> to vector<1x16xf32>
    tpu.vector_store %arg5[%swap3A_956, %swap3A_957], %swap3A_960 {strides = array<i32>} : memref<1x128xf32, #tpu.memory_space<vmem>>, vector<1x16xf32>,
    %swap3A_961 = arith.constant 0 : i32
    %swap3A_962 = arith.index_cast %swap3A_961 : i32 to index
    %swap3A_963 = arith.constant 80 : index
    %swap3A_964 = tpu.vector_load %arg6[%swap3A_962, %swap3A_963] {strides = array<i32>} : memref<1x128xf32, #tpu.memory_space<vmem>>, vector<1x16xf32>,
    %swap3A_965 = vector.shape_cast %swap3A_964 : vector<1x16xf32> to vector<16xf32>
    %swap3A_966 = vector.shape_cast %select_n3A_921 : vector<16xf32> to vector<1x16xf32>
    tpu.vector_store %arg6[%swap3A_962, %swap3A_963], %swap3A_966 {strides = array<i32>} : memref<1x128xf32, #tpu.memory_space<vmem>>, vector<1x16xf32>,
    %swap3A_967 = arith.constant 0 : i32
    %swap3A_968 = arith.index_cast %swap3A_967 : i32 to index
    %swap3A_969 = arith.constant 80 : index
    %swap3A_970 = tpu.vector_load %arg7[%swap3A_968, %swap3A_969] {strides = array<i32>} : memref<1x128xf32, #tpu.memory_space<vmem>>, vector<1x16xf32>,
    %swap3A_971 = vector.shape_cast %swap3A_970 : vector<1x16xf32> to vector<16xf32>
    %swap3A_972 = vector.shape_cast %div3A_954 : vector<16xf32> to vector<1x16xf32>
    tpu.vector_store %arg7[%swap3A_968, %swap3A_969], %swap3A_972 {strides = array<i32>} : memref<1x128xf32, #tpu.memory_space<vmem>>, vector<1x16xf32>,
    %get3A_973 = arith.constant 0 : i32
    %get3A_974 = arith.index_cast %get3A_973 : i32 to index
    %get3A_975 = arith.constant 96 : index
    %get3A_976 = tpu.vector_load %arg4[%get3A_974, %get3A_975] {strides = array<i32>} : memref<8x128xf32, #tpu.memory_space<vmem>>, vector<1x16xf32>,
    %get3A_977 = vector.shape_cast %get3A_976 : vector<1x16xf32> to vector<16xf32>
    %get3A_978 = arith.constant 1 : i32
    %get3A_979 = arith.index_cast %get3A_978 : i32 to index
    %get3A_980 = arith.constant 96 : index
    %get3A_981 = tpu.vector_load %arg4[%get3A_979, %get3A_980] {strides = array<i32>} : memref<8x128xf32, #tpu.memory_space<vmem>>, vector<1x16xf32>,
    %get3A_982 = vector.shape_cast %get3A_981 : vector<1x16xf32> to vector<16xf32>
    %get3A_983 = arith.constant 2 : i32
    %get3A_984 = arith.index_cast %get3A_983 : i32 to index
    %get3A_985 = arith.constant 96 : index
    %get3A_986 = tpu.vector_load %arg4[%get3A_984, %get3A_985] {strides = array<i32>} : memref<8x128xf32, #tpu.memory_space<vmem>>, vector<1x16xf32>,
    %get3A_987 = vector.shape_cast %get3A_986 : vector<1x16xf32> to vector<16xf32>
    %get3A_988 = arith.constant 3 : i32
    %get3A_989 = arith.index_cast %get3A_988 : i32 to index
    %get3A_990 = arith.constant 96 : index
    %get3A_991 = tpu.vector_load %arg4[%get3A_989, %get3A_990] {strides = array<i32>} : memref<8x128xf32, #tpu.memory_space<vmem>>, vector<1x16xf32>,
    %get3A_992 = vector.shape_cast %get3A_991 : vector<1x16xf32> to vector<16xf32>
    %get3A_993 = arith.constant 4 : i32
    %get3A_994 = arith.index_cast %get3A_993 : i32 to index
    %get3A_995 = arith.constant 96 : index
    %get3A_996 = tpu.vector_load %arg4[%get3A_994, %get3A_995] {strides = array<i32>} : memref<8x128xf32, #tpu.memory_space<vmem>>, vector<1x16xf32>,
    %get3A_997 = vector.shape_cast %get3A_996 : vector<1x16xf32> to vector<16xf32>
    %get3A_998 = arith.constant 5 : i32
    %get3A_999 = arith.index_cast %get3A_998 : i32 to index
    %get3A_1000 = arith.constant 96 : index
    %get3A_1001 = tpu.vector_load %arg4[%get3A_999, %get3A_1000] {strides = array<i32>} : memref<8x128xf32, #tpu.memory_space<vmem>>, vector<1x16xf32>,
    %get3A_1002 = vector.shape_cast %get3A_1001 : vector<1x16xf32> to vector<16xf32>
    %get3A_1003 = arith.constant 6 : i32
    %get3A_1004 = arith.index_cast %get3A_1003 : i32 to index
    %get3A_1005 = arith.constant 96 : index
    %get3A_1006 = tpu.vector_load %arg4[%get3A_1004, %get3A_1005] {strides = array<i32>} : memref<8x128xf32, #tpu.memory_space<vmem>>, vector<1x16xf32>,
    %get3A_1007 = vector.shape_cast %get3A_1006 : vector<1x16xf32> to vector<16xf32>
    %get3A_1008 = arith.constant 7 : i32
    %get3A_1009 = arith.index_cast %get3A_1008 : i32 to index
    %get3A_1010 = arith.constant 96 : index
    %get3A_1011 = tpu.vector_load %arg4[%get3A_1009, %get3A_1010] {strides = array<i32>} : memref<8x128xf32, #tpu.memory_space<vmem>>, vector<1x16xf32>,
    %get3A_1012 = vector.shape_cast %get3A_1011 : vector<1x16xf32> to vector<16xf32>
    %broadcast_in_dim3A_1013 = arith.constant 0.000000e+00 : f32
    %broadcast_in_dim3A_1014 = vector.broadcast %broadcast_in_dim3A_1013 : f32 to vector<16xf32>
    %broadcast_in_dim3A_1015 = arith.constant -3.000000e+38 : f32
    %broadcast_in_dim3A_1016 = vector.broadcast %broadcast_in_dim3A_1015 : f32 to vector<16xf32>
    %broadcast_in_dim3A_1017 = arith.constant 0.000000e+00 : f32
    %broadcast_in_dim3A_1018 = vector.broadcast %broadcast_in_dim3A_1017 : f32 to vector<16xf32>
    %broadcast_in_dim3A_1019 = arith.constant 1.000000e+00 : f32
    %broadcast_in_dim3A_1020 = vector.broadcast %broadcast_in_dim3A_1019 : f32 to vector<16xf32>
    %gt3A_1021 = arith.cmpf ogt, %get3A_982, %get3A_977 : vector<16xf32>
    %gt3A_1022 = arith.cmpf ogt, %get3A_982, %broadcast_in_dim3A_1016 : vector<16xf32>
    %select_n3A_1023 = arith.select %gt3A_1022, %broadcast_in_dim3A_1020, %broadcast_in_dim3A_1018 : vector<16xi1>, vector<16xf32>
    %select_n3A_1024 = arith.select %gt3A_1021, %broadcast_in_dim3A_1014, %select_n3A_1023 : vector<16xi1>, vector<16xf32>
    %select_n3A_1025 = arith.select %gt3A_1022, %get3A_982, %broadcast_in_dim3A_1016 : vector<16xi1>, vector<16xf32>
    %select_n3A_1026 = arith.select %gt3A_1021, %get3A_977, %select_n3A_1025 : vector<16xi1>, vector<16xf32>
    %select_n3A_1027 = arith.select %gt3A_1021, %broadcast_in_dim3A_1020, %broadcast_in_dim3A_1014 : vector<16xi1>, vector<16xf32>
    %select_n3A_1028 = arith.select %gt3A_1021, %get3A_982, %get3A_977 : vector<16xi1>, vector<16xf32>
    %broadcast_in_dim3A_1029 = arith.constant 2.000000e+00 : f32
    %broadcast_in_dim3A_1030 = vector.broadcast %broadcast_in_dim3A_1029 : f32 to vector<16xf32>
    %gt3A_1031 = arith.cmpf ogt, %get3A_987, %select_n3A_1028 : vector<16xf32>
    %gt3A_1032 = arith.cmpf ogt, %get3A_987, %select_n3A_1026 : vector<16xf32>
    %select_n3A_1033 = arith.select %gt3A_1032, %broadcast_in_dim3A_1030, %select_n3A_1024 : vector<16xi1>, vector<16xf32>
    %select_n3A_1034 = arith.select %gt3A_1031, %select_n3A_1027, %select_n3A_1033 : vector<16xi1>, vector<16xf32>
    %select_n3A_1035 = arith.select %gt3A_1032, %get3A_987, %select_n3A_1026 : vector<16xi1>, vector<16xf32>
    %select_n3A_1036 = arith.select %gt3A_1031, %select_n3A_1028, %select_n3A_1035 : vector<16xi1>, vector<16xf32>
    %select_n3A_1037 = arith.select %gt3A_1031, %broadcast_in_dim3A_1030, %select_n3A_1027 : vector<16xi1>, vector<16xf32>
    %select_n3A_1038 = arith.select %gt3A_1031, %get3A_987, %select_n3A_1028 : vector<16xi1>, vector<16xf32>
    %broadcast_in_dim3A_1039 = arith.constant 3.000000e+00 : f32
    %broadcast_in_dim3A_1040 = vector.broadcast %broadcast_in_dim3A_1039 : f32 to vector<16xf32>
    %gt3A_1041 = arith.cmpf ogt, %get3A_992, %select_n3A_1038 : vector<16xf32>
    %gt3A_1042 = arith.cmpf ogt, %get3A_992, %select_n3A_1036 : vector<16xf32>
    %select_n3A_1043 = arith.select %gt3A_1042, %broadcast_in_dim3A_1040, %select_n3A_1034 : vector<16xi1>, vector<16xf32>
    %select_n3A_1044 = arith.select %gt3A_1041, %select_n3A_1037, %select_n3A_1043 : vector<16xi1>, vector<16xf32>
    %select_n3A_1045 = arith.select %gt3A_1042, %get3A_992, %select_n3A_1036 : vector<16xi1>, vector<16xf32>
    %select_n3A_1046 = arith.select %gt3A_1041, %select_n3A_1038, %select_n3A_1045 : vector<16xi1>, vector<16xf32>
    %select_n3A_1047 = arith.select %gt3A_1041, %broadcast_in_dim3A_1040, %select_n3A_1037 : vector<16xi1>, vector<16xf32>
    %select_n3A_1048 = arith.select %gt3A_1041, %get3A_992, %select_n3A_1038 : vector<16xi1>, vector<16xf32>
    %broadcast_in_dim3A_1049 = arith.constant 4.000000e+00 : f32
    %broadcast_in_dim3A_1050 = vector.broadcast %broadcast_in_dim3A_1049 : f32 to vector<16xf32>
    %gt3A_1051 = arith.cmpf ogt, %get3A_997, %select_n3A_1048 : vector<16xf32>
    %gt3A_1052 = arith.cmpf ogt, %get3A_997, %select_n3A_1046 : vector<16xf32>
    %select_n3A_1053 = arith.select %gt3A_1052, %broadcast_in_dim3A_1050, %select_n3A_1044 : vector<16xi1>, vector<16xf32>
    %select_n3A_1054 = arith.select %gt3A_1051, %select_n3A_1047, %select_n3A_1053 : vector<16xi1>, vector<16xf32>
    %select_n3A_1055 = arith.select %gt3A_1052, %get3A_997, %select_n3A_1046 : vector<16xi1>, vector<16xf32>
    %select_n3A_1056 = arith.select %gt3A_1051, %select_n3A_1048, %select_n3A_1055 : vector<16xi1>, vector<16xf32>
    %select_n3A_1057 = arith.select %gt3A_1051, %broadcast_in_dim3A_1050, %select_n3A_1047 : vector<16xi1>, vector<16xf32>
    %select_n3A_1058 = arith.select %gt3A_1051, %get3A_997, %select_n3A_1048 : vector<16xi1>, vector<16xf32>
    %broadcast_in_dim3A_1059 = arith.constant 5.000000e+00 : f32
    %broadcast_in_dim3A_1060 = vector.broadcast %broadcast_in_dim3A_1059 : f32 to vector<16xf32>
    %gt3A_1061 = arith.cmpf ogt, %get3A_1002, %select_n3A_1058 : vector<16xf32>
    %gt3A_1062 = arith.cmpf ogt, %get3A_1002, %select_n3A_1056 : vector<16xf32>
    %select_n3A_1063 = arith.select %gt3A_1062, %broadcast_in_dim3A_1060, %select_n3A_1054 : vector<16xi1>, vector<16xf32>
    %select_n3A_1064 = arith.select %gt3A_1061, %select_n3A_1057, %select_n3A_1063 : vector<16xi1>, vector<16xf32>
    %select_n3A_1065 = arith.select %gt3A_1062, %get3A_1002, %select_n3A_1056 : vector<16xi1>, vector<16xf32>
    %select_n3A_1066 = arith.select %gt3A_1061, %select_n3A_1058, %select_n3A_1065 : vector<16xi1>, vector<16xf32>
    %select_n3A_1067 = arith.select %gt3A_1061, %broadcast_in_dim3A_1060, %select_n3A_1057 : vector<16xi1>, vector<16xf32>
    %select_n3A_1068 = arith.select %gt3A_1061, %get3A_1002, %select_n3A_1058 : vector<16xi1>, vector<16xf32>
    %broadcast_in_dim3A_1069 = arith.constant 6.000000e+00 : f32
    %broadcast_in_dim3A_1070 = vector.broadcast %broadcast_in_dim3A_1069 : f32 to vector<16xf32>
    %gt3A_1071 = arith.cmpf ogt, %get3A_1007, %select_n3A_1068 : vector<16xf32>
    %gt3A_1072 = arith.cmpf ogt, %get3A_1007, %select_n3A_1066 : vector<16xf32>
    %select_n3A_1073 = arith.select %gt3A_1072, %broadcast_in_dim3A_1070, %select_n3A_1064 : vector<16xi1>, vector<16xf32>
    %select_n3A_1074 = arith.select %gt3A_1071, %select_n3A_1067, %select_n3A_1073 : vector<16xi1>, vector<16xf32>
    %select_n3A_1075 = arith.select %gt3A_1072, %get3A_1007, %select_n3A_1066 : vector<16xi1>, vector<16xf32>
    %select_n3A_1076 = arith.select %gt3A_1071, %select_n3A_1068, %select_n3A_1075 : vector<16xi1>, vector<16xf32>
    %select_n3A_1077 = arith.select %gt3A_1071, %broadcast_in_dim3A_1070, %select_n3A_1067 : vector<16xi1>, vector<16xf32>
    %select_n3A_1078 = arith.select %gt3A_1071, %get3A_1007, %select_n3A_1068 : vector<16xi1>, vector<16xf32>
    %broadcast_in_dim3A_1079 = arith.constant 7.000000e+00 : f32
    %broadcast_in_dim3A_1080 = vector.broadcast %broadcast_in_dim3A_1079 : f32 to vector<16xf32>
    %gt3A_1081 = arith.cmpf ogt, %get3A_1012, %select_n3A_1078 : vector<16xf32>
    %gt3A_1082 = arith.cmpf ogt, %get3A_1012, %select_n3A_1076 : vector<16xf32>
    %select_n3A_1083 = arith.select %gt3A_1082, %broadcast_in_dim3A_1080, %select_n3A_1074 : vector<16xi1>, vector<16xf32>
    %select_n3A_1084 = arith.select %gt3A_1081, %select_n3A_1077, %select_n3A_1083 : vector<16xi1>, vector<16xf32>
    %select_n3A_1085 = arith.select %gt3A_1082, %get3A_1012, %select_n3A_1076 : vector<16xi1>, vector<16xf32>
    %select_n3A_1086 = arith.select %gt3A_1081, %select_n3A_1078, %select_n3A_1085 : vector<16xi1>, vector<16xf32>
    %select_n3A_1087 = arith.select %gt3A_1081, %broadcast_in_dim3A_1080, %select_n3A_1077 : vector<16xi1>, vector<16xf32>
    %select_n3A_1088 = arith.select %gt3A_1081, %get3A_1012, %select_n3A_1078 : vector<16xi1>, vector<16xf32>
    %sub3A_1089 = arith.subf %get3A_977, %select_n3A_1088 : vector<16xf32>
    %exp3A_1090 = math.exp %sub3A_1089 : vector<16xf32>
    %sub3A_1091 = arith.subf %get3A_982, %select_n3A_1088 : vector<16xf32>
    %exp3A_1092 = math.exp %sub3A_1091 : vector<16xf32>
    %add3A_1093 = arith.addf %exp3A_1090, %exp3A_1092 : vector<16xf32>
    %sub3A_1094 = arith.subf %get3A_987, %select_n3A_1088 : vector<16xf32>
    %exp3A_1095 = math.exp %sub3A_1094 : vector<16xf32>
    %add3A_1096 = arith.addf %add3A_1093, %exp3A_1095 : vector<16xf32>
    %sub3A_1097 = arith.subf %get3A_992, %select_n3A_1088 : vector<16xf32>
    %exp3A_1098 = math.exp %sub3A_1097 : vector<16xf32>
    %add3A_1099 = arith.addf %add3A_1096, %exp3A_1098 : vector<16xf32>
    %sub3A_1100 = arith.subf %get3A_997, %select_n3A_1088 : vector<16xf32>
    %exp3A_1101 = math.exp %sub3A_1100 : vector<16xf32>
    %add3A_1102 = arith.addf %add3A_1099, %exp3A_1101 : vector<16xf32>
    %sub3A_1103 = arith.subf %get3A_1002, %select_n3A_1088 : vector<16xf32>
    %exp3A_1104 = math.exp %sub3A_1103 : vector<16xf32>
    %add3A_1105 = arith.addf %add3A_1102, %exp3A_1104 : vector<16xf32>
    %sub3A_1106 = arith.subf %get3A_1007, %select_n3A_1088 : vector<16xf32>
    %exp3A_1107 = math.exp %sub3A_1106 : vector<16xf32>
    %add3A_1108 = arith.addf %add3A_1105, %exp3A_1107 : vector<16xf32>
    %sub3A_1109 = arith.subf %get3A_1012, %select_n3A_1088 : vector<16xf32>
    %exp3A_1110 = math.exp %sub3A_1109 : vector<16xf32>
    %add3A_1111 = arith.addf %add3A_1108, %exp3A_1110 : vector<16xf32>
    %sub3A_1112 = arith.subf %select_n3A_1086, %select_n3A_1088 : vector<16xf32>
    %exp3A_1113 = math.exp %sub3A_1112 : vector<16xf32>
    %add3A_1114 = arith.constant 1.000000e+00 : f32
    %add3A_1115 = vector.broadcast %add3A_1114 : f32 to vector<16xf32>
    %add3A_1116 = arith.addf %add3A_1115, %exp3A_1113 : vector<16xf32>
    %div3A_1117 = arith.divf %add3A_1116, %add3A_1111 : vector<16xf32>
    %swap3A_1118 = arith.constant 0 : i32
    %swap3A_1119 = arith.index_cast %swap3A_1118 : i32 to index
    %swap3A_1120 = arith.constant 96 : index
    %swap3A_1121 = tpu.vector_load %arg5[%swap3A_1119, %swap3A_1120] {strides = array<i32>} : memref<1x128xf32, #tpu.memory_space<vmem>>, vector<1x16xf32>,
    %swap3A_1122 = vector.shape_cast %swap3A_1121 : vector<1x16xf32> to vector<16xf32>
    %swap3A_1123 = vector.shape_cast %select_n3A_1087 : vector<16xf32> to vector<1x16xf32>
    tpu.vector_store %arg5[%swap3A_1119, %swap3A_1120], %swap3A_1123 {strides = array<i32>} : memref<1x128xf32, #tpu.memory_space<vmem>>, vector<1x16xf32>,
    %swap3A_1124 = arith.constant 0 : i32
    %swap3A_1125 = arith.index_cast %swap3A_1124 : i32 to index
    %swap3A_1126 = arith.constant 96 : index
    %swap3A_1127 = tpu.vector_load %arg6[%swap3A_1125, %swap3A_1126] {strides = array<i32>} : memref<1x128xf32, #tpu.memory_space<vmem>>, vector<1x16xf32>,
    %swap3A_1128 = vector.shape_cast %swap3A_1127 : vector<1x16xf32> to vector<16xf32>
    %swap3A_1129 = vector.shape_cast %select_n3A_1084 : vector<16xf32> to vector<1x16xf32>
    tpu.vector_store %arg6[%swap3A_1125, %swap3A_1126], %swap3A_1129 {strides = array<i32>} : memref<1x128xf32, #tpu.memory_space<vmem>>, vector<1x16xf32>,
    %swap3A_1130 = arith.constant 0 : i32
    %swap3A_1131 = arith.index_cast %swap3A_1130 : i32 to index
    %swap3A_1132 = arith.constant 96 : index
    %swap3A_1133 = tpu.vector_load %arg7[%swap3A_1131, %swap3A_1132] {strides = array<i32>} : memref<1x128xf32, #tpu.memory_space<vmem>>, vector<1x16xf32>,
    %swap3A_1134 = vector.shape_cast %swap3A_1133 : vector<1x16xf32> to vector<16xf32>
    %swap3A_1135 = vector.shape_cast %div3A_1117 : vector<16xf32> to vector<1x16xf32>
    tpu.vector_store %arg7[%swap3A_1131, %swap3A_1132], %swap3A_1135 {strides = array<i32>} : memref<1x128xf32, #tpu.memory_space<vmem>>, vector<1x16xf32>,
    %get3A_1136 = arith.constant 0 : i32
    %get3A_1137 = arith.index_cast %get3A_1136 : i32 to index
    %get3A_1138 = arith.constant 112 : index
    %get3A_1139 = tpu.vector_load %arg4[%get3A_1137, %get3A_1138] {strides = array<i32>} : memref<8x128xf32, #tpu.memory_space<vmem>>, vector<1x16xf32>,
    %get3A_1140 = vector.shape_cast %get3A_1139 : vector<1x16xf32> to vector<16xf32>
    %get3A_1141 = arith.constant 1 : i32
    %get3A_1142 = arith.index_cast %get3A_1141 : i32 to index
    %get3A_1143 = arith.constant 112 : index
    %get3A_1144 = tpu.vector_load %arg4[%get3A_1142, %get3A_1143] {strides = array<i32>} : memref<8x128xf32, #tpu.memory_space<vmem>>, vector<1x16xf32>,
    %get3A_1145 = vector.shape_cast %get3A_1144 : vector<1x16xf32> to vector<16xf32>
    %get3A_1146 = arith.constant 2 : i32
    %get3A_1147 = arith.index_cast %get3A_1146 : i32 to index
    %get3A_1148 = arith.constant 112 : index
    %get3A_1149 = tpu.vector_load %arg4[%get3A_1147, %get3A_1148] {strides = array<i32>} : memref<8x128xf32, #tpu.memory_space<vmem>>, vector<1x16xf32>,
    %get3A_1150 = vector.shape_cast %get3A_1149 : vector<1x16xf32> to vector<16xf32>
    %get3A_1151 = arith.constant 3 : i32
    %get3A_1152 = arith.index_cast %get3A_1151 : i32 to index
    %get3A_1153 = arith.constant 112 : index
    %get3A_1154 = tpu.vector_load %arg4[%get3A_1152, %get3A_1153] {strides = array<i32>} : memref<8x128xf32, #tpu.memory_space<vmem>>, vector<1x16xf32>,
    %get3A_1155 = vector.shape_cast %get3A_1154 : vector<1x16xf32> to vector<16xf32>
    %get3A_1156 = arith.constant 4 : i32
    %get3A_1157 = arith.index_cast %get3A_1156 : i32 to index
    %get3A_1158 = arith.constant 112 : index
    %get3A_1159 = tpu.vector_load %arg4[%get3A_1157, %get3A_1158] {strides = array<i32>} : memref<8x128xf32, #tpu.memory_space<vmem>>, vector<1x16xf32>,
    %get3A_1160 = vector.shape_cast %get3A_1159 : vector<1x16xf32> to vector<16xf32>
    %get3A_1161 = arith.constant 5 : i32
    %get3A_1162 = arith.index_cast %get3A_1161 : i32 to index
    %get3A_1163 = arith.constant 112 : index
    %get3A_1164 = tpu.vector_load %arg4[%get3A_1162, %get3A_1163] {strides = array<i32>} : memref<8x128xf32, #tpu.memory_space<vmem>>, vector<1x16xf32>,
    %get3A_1165 = vector.shape_cast %get3A_1164 : vector<1x16xf32> to vector<16xf32>
    %get3A_1166 = arith.constant 6 : i32
    %get3A_1167 = arith.index_cast %get3A_1166 : i32 to index
    %get3A_1168 = arith.constant 112 : index
    %get3A_1169 = tpu.vector_load %arg4[%get3A_1167, %get3A_1168] {strides = array<i32>} : memref<8x128xf32, #tpu.memory_space<vmem>>, vector<1x16xf32>,
    %get3A_1170 = vector.shape_cast %get3A_1169 : vector<1x16xf32> to vector<16xf32>
    %get3A_1171 = arith.constant 7 : i32
    %get3A_1172 = arith.index_cast %get3A_1171 : i32 to index
    %get3A_1173 = arith.constant 112 : index
    %get3A_1174 = tpu.vector_load %arg4[%get3A_1172, %get3A_1173] {strides = array<i32>} : memref<8x128xf32, #tpu.memory_space<vmem>>, vector<1x16xf32>,
    %get3A_1175 = vector.shape_cast %get3A_1174 : vector<1x16xf32> to vector<16xf32>
    %broadcast_in_dim3A_1176 = arith.constant 0.000000e+00 : f32
    %broadcast_in_dim3A_1177 = vector.broadcast %broadcast_in_dim3A_1176 : f32 to vector<16xf32>
    %broadcast_in_dim3A_1178 = arith.constant -3.000000e+38 : f32
    %broadcast_in_dim3A_1179 = vector.broadcast %broadcast_in_dim3A_1178 : f32 to vector<16xf32>
    %broadcast_in_dim3A_1180 = arith.constant 0.000000e+00 : f32
    %broadcast_in_dim3A_1181 = vector.broadcast %broadcast_in_dim3A_1180 : f32 to vector<16xf32>
    %broadcast_in_dim3A_1182 = arith.constant 1.000000e+00 : f32
    %broadcast_in_dim3A_1183 = vector.broadcast %broadcast_in_dim3A_1182 : f32 to vector<16xf32>
    %gt3A_1184 = arith.cmpf ogt, %get3A_1145, %get3A_1140 : vector<16xf32>
    %gt3A_1185 = arith.cmpf ogt, %get3A_1145, %broadcast_in_dim3A_1179 : vector<16xf32>
    %select_n3A_1186 = arith.select %gt3A_1185, %broadcast_in_dim3A_1183, %broadcast_in_dim3A_1181 : vector<16xi1>, vector<16xf32>
    %select_n3A_1187 = arith.select %gt3A_1184, %broadcast_in_dim3A_1177, %select_n3A_1186 : vector<16xi1>, vector<16xf32>
    %select_n3A_1188 = arith.select %gt3A_1185, %get3A_1145, %broadcast_in_dim3A_1179 : vector<16xi1>, vector<16xf32>
    %select_n3A_1189 = arith.select %gt3A_1184, %get3A_1140, %select_n3A_1188 : vector<16xi1>, vector<16xf32>
    %select_n3A_1190 = arith.select %gt3A_1184, %broadcast_in_dim3A_1183, %broadcast_in_dim3A_1177 : vector<16xi1>, vector<16xf32>
    %select_n3A_1191 = arith.select %gt3A_1184, %get3A_1145, %get3A_1140 : vector<16xi1>, vector<16xf32>
    %broadcast_in_dim3A_1192 = arith.constant 2.000000e+00 : f32
    %broadcast_in_dim3A_1193 = vector.broadcast %broadcast_in_dim3A_1192 : f32 to vector<16xf32>
    %gt3A_1194 = arith.cmpf ogt, %get3A_1150, %select_n3A_1191 : vector<16xf32>
    %gt3A_1195 = arith.cmpf ogt, %get3A_1150, %select_n3A_1189 : vector<16xf32>
    %select_n3A_1196 = arith.select %gt3A_1195, %broadcast_in_dim3A_1193, %select_n3A_1187 : vector<16xi1>, vector<16xf32>
    %select_n3A_1197 = arith.select %gt3A_1194, %select_n3A_1190, %select_n3A_1196 : vector<16xi1>, vector<16xf32>
    %select_n3A_1198 = arith.select %gt3A_1195, %get3A_1150, %select_n3A_1189 : vector<16xi1>, vector<16xf32>
    %select_n3A_1199 = arith.select %gt3A_1194, %select_n3A_1191, %select_n3A_1198 : vector<16xi1>, vector<16xf32>
    %select_n3A_1200 = arith.select %gt3A_1194, %broadcast_in_dim3A_1193, %select_n3A_1190 : vector<16xi1>, vector<16xf32>
    %select_n3A_1201 = arith.select %gt3A_1194, %get3A_1150, %select_n3A_1191 : vector<16xi1>, vector<16xf32>
    %broadcast_in_dim3A_1202 = arith.constant 3.000000e+00 : f32
    %broadcast_in_dim3A_1203 = vector.broadcast %broadcast_in_dim3A_1202 : f32 to vector<16xf32>
    %gt3A_1204 = arith.cmpf ogt, %get3A_1155, %select_n3A_1201 : vector<16xf32>
    %gt3A_1205 = arith.cmpf ogt, %get3A_1155, %select_n3A_1199 : vector<16xf32>
    %select_n3A_1206 = arith.select %gt3A_1205, %broadcast_in_dim3A_1203, %select_n3A_1197 : vector<16xi1>, vector<16xf32>
    %select_n3A_1207 = arith.select %gt3A_1204, %select_n3A_1200, %select_n3A_1206 : vector<16xi1>, vector<16xf32>
    %select_n3A_1208 = arith.select %gt3A_1205, %get3A_1155, %select_n3A_1199 : vector<16xi1>, vector<16xf32>
    %select_n3A_1209 = arith.select %gt3A_1204, %select_n3A_1201, %select_n3A_1208 : vector<16xi1>, vector<16xf32>
    %select_n3A_1210 = arith.select %gt3A_1204, %broadcast_in_dim3A_1203, %select_n3A_1200 : vector<16xi1>, vector<16xf32>
    %select_n3A_1211 = arith.select %gt3A_1204, %get3A_1155, %select_n3A_1201 : vector<16xi1>, vector<16xf32>
    %broadcast_in_dim3A_1212 = arith.constant 4.000000e+00 : f32
    %broadcast_in_dim3A_1213 = vector.broadcast %broadcast_in_dim3A_1212 : f32 to vector<16xf32>
    %gt3A_1214 = arith.cmpf ogt, %get3A_1160, %select_n3A_1211 : vector<16xf32>
    %gt3A_1215 = arith.cmpf ogt, %get3A_1160, %select_n3A_1209 : vector<16xf32>
    %select_n3A_1216 = arith.select %gt3A_1215, %broadcast_in_dim3A_1213, %select_n3A_1207 : vector<16xi1>, vector<16xf32>
    %select_n3A_1217 = arith.select %gt3A_1214, %select_n3A_1210, %select_n3A_1216 : vector<16xi1>, vector<16xf32>
    %select_n3A_1218 = arith.select %gt3A_1215, %get3A_1160, %select_n3A_1209 : vector<16xi1>, vector<16xf32>
    %select_n3A_1219 = arith.select %gt3A_1214, %select_n3A_1211, %select_n3A_1218 : vector<16xi1>, vector<16xf32>
    %select_n3A_1220 = arith.select %gt3A_1214, %broadcast_in_dim3A_1213, %select_n3A_1210 : vector<16xi1>, vector<16xf32>
    %select_n3A_1221 = arith.select %gt3A_1214, %get3A_1160, %select_n3A_1211 : vector<16xi1>, vector<16xf32>
    %broadcast_in_dim3A_1222 = arith.constant 5.000000e+00 : f32
    %broadcast_in_dim3A_1223 = vector.broadcast %broadcast_in_dim3A_1222 : f32 to vector<16xf32>
    %gt3A_1224 = arith.cmpf ogt, %get3A_1165, %select_n3A_1221 : vector<16xf32>
    %gt3A_1225 = arith.cmpf ogt, %get3A_1165, %select_n3A_1219 : vector<16xf32>
    %select_n3A_1226 = arith.select %gt3A_1225, %broadcast_in_dim3A_1223, %select_n3A_1217 : vector<16xi1>, vector<16xf32>
    %select_n3A_1227 = arith.select %gt3A_1224, %select_n3A_1220, %select_n3A_1226 : vector<16xi1>, vector<16xf32>
    %select_n3A_1228 = arith.select %gt3A_1225, %get3A_1165, %select_n3A_1219 : vector<16xi1>, vector<16xf32>
    %select_n3A_1229 = arith.select %gt3A_1224, %select_n3A_1221, %select_n3A_1228 : vector<16xi1>, vector<16xf32>
    %select_n3A_1230 = arith.select %gt3A_1224, %broadcast_in_dim3A_1223, %select_n3A_1220 : vector<16xi1>, vector<16xf32>
    %select_n3A_1231 = arith.select %gt3A_1224, %get3A_1165, %select_n3A_1221 : vector<16xi1>, vector<16xf32>
    %broadcast_in_dim3A_1232 = arith.constant 6.000000e+00 : f32
    %broadcast_in_dim3A_1233 = vector.broadcast %broadcast_in_dim3A_1232 : f32 to vector<16xf32>
    %gt3A_1234 = arith.cmpf ogt, %get3A_1170, %select_n3A_1231 : vector<16xf32>
    %gt3A_1235 = arith.cmpf ogt, %get3A_1170, %select_n3A_1229 : vector<16xf32>
    %select_n3A_1236 = arith.select %gt3A_1235, %broadcast_in_dim3A_1233, %select_n3A_1227 : vector<16xi1>, vector<16xf32>
    %select_n3A_1237 = arith.select %gt3A_1234, %select_n3A_1230, %select_n3A_1236 : vector<16xi1>, vector<16xf32>
    %select_n3A_1238 = arith.select %gt3A_1235, %get3A_1170, %select_n3A_1229 : vector<16xi1>, vector<16xf32>
    %select_n3A_1239 = arith.select %gt3A_1234, %select_n3A_1231, %select_n3A_1238 : vector<16xi1>, vector<16xf32>
    %select_n3A_1240 = arith.select %gt3A_1234, %broadcast_in_dim3A_1233, %select_n3A_1230 : vector<16xi1>, vector<16xf32>
    %select_n3A_1241 = arith.select %gt3A_1234, %get3A_1170, %select_n3A_1231 : vector<16xi1>, vector<16xf32>
    %broadcast_in_dim3A_1242 = arith.constant 7.000000e+00 : f32
    %broadcast_in_dim3A_1243 = vector.broadcast %broadcast_in_dim3A_1242 : f32 to vector<16xf32>
    %gt3A_1244 = arith.cmpf ogt, %get3A_1175, %select_n3A_1241 : vector<16xf32>
    %gt3A_1245 = arith.cmpf ogt, %get3A_1175, %select_n3A_1239 : vector<16xf32>
    %select_n3A_1246 = arith.select %gt3A_1245, %broadcast_in_dim3A_1243, %select_n3A_1237 : vector<16xi1>, vector<16xf32>
    %select_n3A_1247 = arith.select %gt3A_1244, %select_n3A_1240, %select_n3A_1246 : vector<16xi1>, vector<16xf32>
    %select_n3A_1248 = arith.select %gt3A_1245, %get3A_1175, %select_n3A_1239 : vector<16xi1>, vector<16xf32>
    %select_n3A_1249 = arith.select %gt3A_1244, %select_n3A_1241, %select_n3A_1248 : vector<16xi1>, vector<16xf32>
    %select_n3A_1250 = arith.select %gt3A_1244, %broadcast_in_dim3A_1243, %select_n3A_1240 : vector<16xi1>, vector<16xf32>
    %select_n3A_1251 = arith.select %gt3A_1244, %get3A_1175, %select_n3A_1241 : vector<16xi1>, vector<16xf32>
    %sub3A_1252 = arith.subf %get3A_1140, %select_n3A_1251 : vector<16xf32>
    %exp3A_1253 = math.exp %sub3A_1252 : vector<16xf32>
    %sub3A_1254 = arith.subf %get3A_1145, %select_n3A_1251 : vector<16xf32>
    %exp3A_1255 = math.exp %sub3A_1254 : vector<16xf32>
    %add3A_1256 = arith.addf %exp3A_1253, %exp3A_1255 : vector<16xf32>
    %sub3A_1257 = arith.subf %get3A_1150, %select_n3A_1251 : vector<16xf32>
    %exp3A_1258 = math.exp %sub3A_1257 : vector<16xf32>
    %add3A_1259 = arith.addf %add3A_1256, %exp3A_1258 : vector<16xf32>
    %sub3A_1260 = arith.subf %get3A_1155, %select_n3A_1251 : vector<16xf32>
    %exp3A_1261 = math.exp %sub3A_1260 : vector<16xf32>
    %add3A_1262 = arith.addf %add3A_1259, %exp3A_1261 : vector<16xf32>
    %sub3A_1263 = arith.subf %get3A_1160, %select_n3A_1251 : vector<16xf32>
    %exp3A_1264 = math.exp %sub3A_1263 : vector<16xf32>
    %add3A_1265 = arith.addf %add3A_1262, %exp3A_1264 : vector<16xf32>
    %sub3A_1266 = arith.subf %get3A_1165, %select_n3A_1251 : vector<16xf32>
    %exp3A_1267 = math.exp %sub3A_1266 : vector<16xf32>
    %add3A_1268 = arith.addf %add3A_1265, %exp3A_1267 : vector<16xf32>
    %sub3A_1269 = arith.subf %get3A_1170, %select_n3A_1251 : vector<16xf32>
    %exp3A_1270 = math.exp %sub3A_1269 : vector<16xf32>
    %add3A_1271 = arith.addf %add3A_1268, %exp3A_1270 : vector<16xf32>
    %sub3A_1272 = arith.subf %get3A_1175, %select_n3A_1251 : vector<16xf32>
    %exp3A_1273 = math.exp %sub3A_1272 : vector<16xf32>
    %add3A_1274 = arith.addf %add3A_1271, %exp3A_1273 : vector<16xf32>
    %sub3A_1275 = arith.subf %select_n3A_1249, %select_n3A_1251 : vector<16xf32>
    %exp3A_1276 = math.exp %sub3A_1275 : vector<16xf32>
    %add3A_1277 = arith.constant 1.000000e+00 : f32
    %add3A_1278 = vector.broadcast %add3A_1277 : f32 to vector<16xf32>
    %add3A_1279 = arith.addf %add3A_1278, %exp3A_1276 : vector<16xf32>
    %div3A_1280 = arith.divf %add3A_1279, %add3A_1274 : vector<16xf32>
    %swap3A_1281 = arith.constant 0 : i32
    %swap3A_1282 = arith.index_cast %swap3A_1281 : i32 to index
    %swap3A_1283 = arith.constant 112 : index
    %swap3A_1284 = tpu.vector_load %arg5[%swap3A_1282, %swap3A_1283] {strides = array<i32>} : memref<1x128xf32, #tpu.memory_space<vmem>>, vector<1x16xf32>,
    %swap3A_1285 = vector.shape_cast %swap3A_1284 : vector<1x16xf32> to vector<16xf32>
    %swap3A_1286 = vector.shape_cast %select_n3A_1250 : vector<16xf32> to vector<1x16xf32>
    tpu.vector_store %arg5[%swap3A_1282, %swap3A_1283], %swap3A_1286 {strides = array<i32>} : memref<1x128xf32, #tpu.memory_space<vmem>>, vector<1x16xf32>,
    %swap3A_1287 = arith.constant 0 : i32
    %swap3A_1288 = arith.index_cast %swap3A_1287 : i32 to index
    %swap3A_1289 = arith.constant 112 : index
    %swap3A_1290 = tpu.vector_load %arg6[%swap3A_1288, %swap3A_1289] {strides = array<i32>} : memref<1x128xf32, #tpu.memory_space<vmem>>, vector<1x16xf32>,
    %swap3A_1291 = vector.shape_cast %swap3A_1290 : vector<1x16xf32> to vector<16xf32>
    %swap3A_1292 = vector.shape_cast %select_n3A_1247 : vector<16xf32> to vector<1x16xf32>
    tpu.vector_store %arg6[%swap3A_1288, %swap3A_1289], %swap3A_1292 {strides = array<i32>} : memref<1x128xf32, #tpu.memory_space<vmem>>, vector<1x16xf32>,
    %swap3A_1293 = arith.constant 0 : i32
    %swap3A_1294 = arith.index_cast %swap3A_1293 : i32 to index
    %swap3A_1295 = arith.constant 112 : index
    %swap3A_1296 = tpu.vector_load %arg7[%swap3A_1294, %swap3A_1295] {strides = array<i32>} : memref<1x128xf32, #tpu.memory_space<vmem>>, vector<1x16xf32>,
    %swap3A_1297 = vector.shape_cast %swap3A_1296 : vector<1x16xf32> to vector<16xf32>
    %swap3A_1298 = vector.shape_cast %div3A_1280 : vector<16xf32> to vector<1x16xf32>
    tpu.vector_store %arg7[%swap3A_1294, %swap3A_1295], %swap3A_1298 {strides = array<i32>} : memref<1x128xf32, #tpu.memory_space<vmem>>, vector<1x16xf32>,
    "tpu.region"() ({
      %run_scoped3A = tpu.sem_alloc : memref<!tpu.dma_semaphore, #tpu.memory_space<semaphore_mem>>
      %dma_start3A = arith.constant 0 : i32
      %dma_start3A_1299 = tpu.memref_slice %arg3[%dma_start3A, %mul3A_2] : memref<3x4096xf32, #tpu.memory_space<hbm>> -> memref<1x128xf32, #tpu.memory_space<hbm>>
      %dma_start3A_1300 = arith.constant 0 : i32
      %dma_start3A_1301 = tpu.memref_slice %arg3[%dma_start3A_1300, %mul3A_2] : memref<3x4096xf32, #tpu.memory_space<hbm>> -> memref<1x128xf32, #tpu.memory_space<hbm>>
      tpu.enqueue_dma source(%arg5 : memref<1x128xf32, #tpu.memory_space<vmem>>) target(%dma_start3A_1301 : memref<1x128xf32, #tpu.memory_space<hbm>>) target_semaphore(%run_scoped3A : memref<!tpu.dma_semaphore, #tpu.memory_space<semaphore_mem>>)
      %dma_wait3A = arith.constant 0 : i32
      %dma_wait3A_1302 = tpu.memref_slice %arg3[%dma_wait3A, %mul3A_2] : memref<3x4096xf32, #tpu.memory_space<hbm>> -> memref<1x128xf32, #tpu.memory_space<hbm>>
      %dma_wait3A_1303 = arith.constant 0 : i32
      %dma_wait3A_1304 = tpu.memref_slice %arg3[%dma_wait3A_1303, %mul3A_2] : memref<3x4096xf32, #tpu.memory_space<hbm>> -> memref<1x128xf32, #tpu.memory_space<hbm>>
      tpu.wait_dma2 semaphore(%run_scoped3A : memref<!tpu.dma_semaphore, #tpu.memory_space<semaphore_mem>>) src(%arg5 : memref<1x128xf32, #tpu.memory_space<vmem>>) dst(%dma_wait3A_1304 : memref<1x128xf32, #tpu.memory_space<hbm>>)
      tpu.yield
    }) : () -> ()
    "tpu.region"() ({
      %run_scoped3A = tpu.sem_alloc : memref<!tpu.dma_semaphore, #tpu.memory_space<semaphore_mem>>
      %dma_start3A = arith.constant 1 : i32
      %dma_start3A_1299 = tpu.memref_slice %arg3[%dma_start3A, %mul3A_2] : memref<3x4096xf32, #tpu.memory_space<hbm>> -> memref<1x128xf32, #tpu.memory_space<hbm>>
      %dma_start3A_1300 = arith.constant 1 : i32
      %dma_start3A_1301 = tpu.memref_slice %arg3[%dma_start3A_1300, %mul3A_2] : memref<3x4096xf32, #tpu.memory_space<hbm>> -> memref<1x128xf32, #tpu.memory_space<hbm>>
      tpu.enqueue_dma source(%arg6 : memref<1x128xf32, #tpu.memory_space<vmem>>) target(%dma_start3A_1301 : memref<1x128xf32, #tpu.memory_space<hbm>>) target_semaphore(%run_scoped3A : memref<!tpu.dma_semaphore, #tpu.memory_space<semaphore_mem>>)
      %dma_wait3A = arith.constant 1 : i32
      %dma_wait3A_1302 = tpu.memref_slice %arg3[%dma_wait3A, %mul3A_2] : memref<3x4096xf32, #tpu.memory_space<hbm>> -> memref<1x128xf32, #tpu.memory_space<hbm>>
      %dma_wait3A_1303 = arith.constant 1 : i32
      %dma_wait3A_1304 = tpu.memref_slice %arg3[%dma_wait3A_1303, %mul3A_2] : memref<3x4096xf32, #tpu.memory_space<hbm>> -> memref<1x128xf32, #tpu.memory_space<hbm>>
      tpu.wait_dma2 semaphore(%run_scoped3A : memref<!tpu.dma_semaphore, #tpu.memory_space<semaphore_mem>>) src(%arg6 : memref<1x128xf32, #tpu.memory_space<vmem>>) dst(%dma_wait3A_1304 : memref<1x128xf32, #tpu.memory_space<hbm>>)
      tpu.yield
    }) : () -> ()
    "tpu.region"() ({
      %run_scoped3A = tpu.sem_alloc : memref<!tpu.dma_semaphore, #tpu.memory_space<semaphore_mem>>
      %dma_start3A = arith.constant 2 : i32
      %dma_start3A_1299 = tpu.memref_slice %arg3[%dma_start3A, %mul3A_2] : memref<3x4096xf32, #tpu.memory_space<hbm>> -> memref<1x128xf32, #tpu.memory_space<hbm>>
      %dma_start3A_1300 = arith.constant 2 : i32
      %dma_start3A_1301 = tpu.memref_slice %arg3[%dma_start3A_1300, %mul3A_2] : memref<3x4096xf32, #tpu.memory_space<hbm>> -> memref<1x128xf32, #tpu.memory_space<hbm>>
      tpu.enqueue_dma source(%arg7 : memref<1x128xf32, #tpu.memory_space<vmem>>) target(%dma_start3A_1301 : memref<1x128xf32, #tpu.memory_space<hbm>>) target_semaphore(%run_scoped3A : memref<!tpu.dma_semaphore, #tpu.memory_space<semaphore_mem>>)
      %dma_wait3A = arith.constant 2 : i32
      %dma_wait3A_1302 = tpu.memref_slice %arg3[%dma_wait3A, %mul3A_2] : memref<3x4096xf32, #tpu.memory_space<hbm>> -> memref<1x128xf32, #tpu.memory_space<hbm>>
      %dma_wait3A_1303 = arith.constant 2 : i32
      %dma_wait3A_1304 = tpu.memref_slice %arg3[%dma_wait3A_1303, %mul3A_2] : memref<3x4096xf32, #tpu.memory_space<hbm>> -> memref<1x128xf32, #tpu.memory_space<hbm>>
      tpu.wait_dma2 semaphore(%run_scoped3A : memref<!tpu.dma_semaphore, #tpu.memory_space<semaphore_mem>>) src(%arg7 : memref<1x128xf32, #tpu.memory_space<vmem>>) dst(%dma_wait3A_1304 : memref<1x128xf32, #tpu.memory_space<hbm>>)
      tpu.yield
    }) : () -> ()
    return
  }
}

module attributes {stable_mosaic.version = 14 : i64} {
  func.func @_logits_kernel(%arg0: memref<4096x768xf32, #tpu.memory_space<vmem>>, %arg1: memref<8x768xf32, #tpu.memory_space<vmem>>, %arg2: memref<8x1xf32, #tpu.memory_space<vmem>>, %arg3: memref<8x4096xf32, #tpu.memory_space<vmem>>, %arg4: memref<4096x768xbf16, #tpu.memory_space<vmem>>) attributes {dimension_semantics = [], scalar_prefetch = 0 : i64, scratch_operands = 0 : i64, tpu.core_type = #tpu.core_type<tc>} {
    %get3A = arith.constant 0 : index
    %get3A_0 = arith.constant 0 : index
    %get3A_1 = vector.load %arg0[%get3A, %get3A_0] : memref<4096x768xf32, #tpu.memory_space<vmem>>, vector<4096x768xf32>
    %get3A_2 = arith.constant 0 : index
    %get3A_3 = arith.constant 0 : index
    %get3A_4 = vector.load %arg1[%get3A_2, %get3A_3] : memref<8x768xf32, #tpu.memory_space<vmem>>, vector<8x768xf32>
    %dot_general3A = arith.constant dense<0.000000e+00> : vector<8x4096xf32>
    %dot_general3A_5 = tpu.matmul %get3A_4, %get3A_1, %dot_general3A {dimension_numbers = #tpu.dot_dimension_numbers<[1], [1], [0], [0], [0, 0, 1, 0], [], []>, transpose_lhs_hint = false} : vector<8x768xf32>, vector<4096x768xf32>, vector<8x4096xf32> -> vector<8x4096xf32>
    %get3A_6 = arith.constant 0 : index
    %get3A_7 = arith.constant 0 : index
    %get3A_8 = vector.load %arg2[%get3A_6, %get3A_7] : memref<8x1xf32, #tpu.memory_space<vmem>>, vector<8x1xf32>
    %add3A = vector.broadcast %get3A_8 : vector<8x1xf32> to vector<8x4096xf32>
    %add3A_9 = arith.addf %dot_general3A_5, %add3A : vector<8x4096xf32>
    %swap3A = arith.constant 0 : index
    %swap3A_10 = arith.constant 0 : index
    %swap3A_11 = vector.load %arg3[%swap3A, %swap3A_10] : memref<8x4096xf32, #tpu.memory_space<vmem>>, vector<8x4096xf32>
    tpu.vector_store %arg3[%swap3A, %swap3A_10], %add3A_9 {strides = array<i32>} : memref<8x4096xf32, #tpu.memory_space<vmem>>, vector<8x4096xf32>,
    %convert_element_type3A = arith.truncf %get3A_1 : vector<4096x768xf32> to vector<4096x768xbf16>
    %swap3A_12 = arith.constant 0 : index
    %swap3A_13 = arith.constant 0 : index
    %swap3A_14 = vector.load %arg4[%swap3A_12, %swap3A_13] : memref<4096x768xbf16, #tpu.memory_space<vmem>>, vector<4096x768xbf16>
    tpu.vector_store %arg4[%swap3A_12, %swap3A_13], %convert_element_type3A {strides = array<i32>} : memref<4096x768xbf16, #tpu.memory_space<vmem>>, vector<4096x768xbf16>,
    return
  }
}

module attributes {stable_mosaic.version = 14 : i64} {
  func.func @_ffn_kernel(%arg0: i32, %arg1: memref<512x768xbf16, #tpu.memory_space<vmem>>, %arg2: memref<3x4096xf32, #tpu.memory_space<vmem>>, %arg3: memref<3072x768xf32, #tpu.memory_space<vmem>>, %arg4: memref<768x3072xf32, #tpu.memory_space<vmem>>, %arg5: memref<1x768xf32, #tpu.memory_space<vmem>>, %arg6: memref<768x128xbf16, #tpu.memory_space<vmem>>, %arg7: memref<128x3072xbf16, #tpu.memory_space<vmem>>, %arg8: memref<512x768xf32, #tpu.memory_space<vmem>>, %arg9: memref<3072x768xbf16, #tpu.memory_space<vmem>>, %arg10: memref<768x3072xbf16, #tpu.memory_space<vmem>>) attributes {dimension_semantics = [#tpu.dimension_semantics<arbitrary>], iteration_bounds = array<i64: 8>, scalar_prefetch = 0 : i64, scratch_operands = 2 : i64, tpu.core_type = #tpu.core_type<tc>, window_params = [{transform_indices = @transform_0, window_bounds = array<i64: 512, 768>}, {pipeline_mode = #tpu.pipeline_mode<synchronous>, transform_indices = @transform_1, window_bounds = array<i64: 3, 4096>}, {pipeline_mode = #tpu.pipeline_mode<synchronous>, transform_indices = @transform_2, window_bounds = array<i64: 3072, 768>}, {pipeline_mode = #tpu.pipeline_mode<synchronous>, transform_indices = @transform_3, window_bounds = array<i64: 768, 3072>}, {pipeline_mode = #tpu.pipeline_mode<synchronous>, transform_indices = @transform_4, window_bounds = array<i64: 1, 768>}, {pipeline_mode = #tpu.pipeline_mode<synchronous>, transform_indices = @transform_5, window_bounds = array<i64: 768, 128>}, {pipeline_mode = #tpu.pipeline_mode<synchronous>, transform_indices = @transform_6, window_bounds = array<i64: 128, 3072>}, {transform_indices = @transform_7, window_bounds = array<i64: 512, 768>}]} {
    %eq3A = arith.constant 0 : i32
    %eq3A_0 = arith.cmpi eq, %arg0, %eq3A : i32
    %convert_element_type3A = arith.extui %eq3A_0 : i1 to i32
    %cond3A = arith.constant 0 : i32
    %cond3A_1 = arith.cmpi ne, %convert_element_type3A, %cond3A : i32
    scf.if %cond3A_1 {
      %get3A_99 = arith.constant 0 : index
      %get3A_100 = arith.constant 0 : index
      %get3A_101 = vector.load %arg3[%get3A_99, %get3A_100] : memref<3072x768xf32, #tpu.memory_space<vmem>>, vector<3072x768xf32>
      %convert_element_type3A_102 = arith.truncf %get3A_101 : vector<3072x768xf32> to vector<3072x768xbf16>
      %swap3A_103 = arith.constant 0 : index
      %swap3A_104 = arith.constant 0 : index
      %swap3A_105 = vector.load %arg9[%swap3A_103, %swap3A_104] : memref<3072x768xbf16, #tpu.memory_space<vmem>>, vector<3072x768xbf16>
      tpu.vector_store %arg9[%swap3A_103, %swap3A_104], %convert_element_type3A_102 {strides = array<i32>} : memref<3072x768xbf16, #tpu.memory_space<vmem>>, vector<3072x768xbf16>,
      %get3A_106 = arith.constant 0 : index
      %get3A_107 = arith.constant 0 : index
      %get3A_108 = vector.load %arg4[%get3A_106, %get3A_107] : memref<768x3072xf32, #tpu.memory_space<vmem>>, vector<768x3072xf32>
      %convert_element_type3A_109 = arith.truncf %get3A_108 : vector<768x3072xf32> to vector<768x3072xbf16>
      %swap3A_110 = arith.constant 0 : index
      %swap3A_111 = arith.constant 0 : index
      %swap3A_112 = vector.load %arg10[%swap3A_110, %swap3A_111] : memref<768x3072xbf16, #tpu.memory_space<vmem>>, vector<768x3072xbf16>
      tpu.vector_store %arg10[%swap3A_110, %swap3A_111], %convert_element_type3A_109 {strides = array<i32>} : memref<768x3072xbf16, #tpu.memory_space<vmem>>, vector<768x3072xbf16>,
    } else {
    }
    %get3A = arith.constant 0 : index
    %get3A_2 = arith.constant 0 : index
    %get3A_3 = vector.load %arg1[%get3A, %get3A_2] : memref<512x768xbf16, #tpu.memory_space<vmem>>, vector<512x768xbf16>
    %mul3A = arith.constant 512 : i32
    %mul3A_4 = arith.muli %arg0, %mul3A : i32
    %get3A_5 = arith.constant 0 : index
    %get3A_6 = arith.index_cast %mul3A_4 : i32 to index
    %get3A_7 = vector.load %arg2[%get3A_5, %get3A_6] : memref<3x4096xf32, #tpu.memory_space<vmem>>, vector<3x512xf32>
    %transpose3A = tpu.transpose %get3A_7, [1, 0] : vector<3x512xf32> -> vector<512x3xf32>
    %slice3A = vector.extract_strided_slice %transpose3A {offsets = [0, 0], sizes = [512, 1], strides = [1, 1]} : vector<512x3xf32> to vector<512x1xf32>
    %slice3A_8 = vector.extract_strided_slice %transpose3A {offsets = [0, 1], sizes = [512, 1], strides = [1, 1]} : vector<512x3xf32> to vector<512x1xf32>
    %slice3A_9 = vector.extract_strided_slice %transpose3A {offsets = [0, 2], sizes = [512, 1], strides = [1, 1]} : vector<512x3xf32> to vector<512x1xf32>
    %get3A_10 = arith.constant 0 : index
    %get3A_11 = arith.constant 0 : index
    %get3A_12 = vector.load %arg6[%get3A_10, %get3A_11] : memref<768x128xbf16, #tpu.memory_space<vmem>>, vector<768x128xbf16>
    %dot_general3A = arith.constant dense<0.000000e+00> : vector<512x128xf32>
    %dot_general3A_13 = tpu.matmul %get3A_3, %get3A_12, %dot_general3A {dimension_numbers = #tpu.dot_dimension_numbers<[1], [0], [0], [1], [0, 0, 1, 1], [], []>, transpose_lhs_hint = false} : vector<512x768xbf16>, vector<768x128xbf16>, vector<512x128xf32> -> vector<512x128xf32>
    %iota3A = tpu.iota {dimensions = array<i32: 1>} : vector<512x128xi32>
    %jit3A = arith.constant 4 : i32
    %div3A = vector.broadcast %jit3A : i32 to vector<512x128xi32>
    %div3A_14 = arith.divsi %iota3A, %div3A : vector<512x128xi32>
    %sign3A = arith.constant 0 : i32
    %sign3A_15 = vector.broadcast %sign3A : i32 to vector<512x128xi32>
    %sign3A_16 = arith.cmpi sgt, %iota3A, %sign3A_15 : vector<512x128xi32>
    %sign3A_17 = arith.extui %sign3A_16 : vector<512x128xi1> to vector<512x128xi32>
    %sign3A_18 = arith.constant 0 : i32
    %sign3A_19 = vector.broadcast %sign3A_18 : i32 to vector<512x128xi32>
    %sign3A_20 = arith.cmpi slt, %iota3A, %sign3A_19 : vector<512x128xi32>
    %sign3A_21 = arith.extui %sign3A_20 : vector<512x128xi1> to vector<512x128xi32>
    %sign3A_22 = arith.subi %sign3A_17, %sign3A_21 : vector<512x128xi32>
    %sign3A_23 = arith.constant 0 : i32
    %sign3A_24 = arith.cmpi sgt, %jit3A, %sign3A_23 : i32
    %sign3A_25 = arith.extui %sign3A_24 : i1 to i32
    %sign3A_26 = arith.constant 0 : i32
    %sign3A_27 = arith.cmpi slt, %jit3A, %sign3A_26 : i32
    %sign3A_28 = arith.extui %sign3A_27 : i1 to i32
    %sign3A_29 = arith.subi %sign3A_25, %sign3A_28 : i32
    %ne3A = vector.broadcast %sign3A_29 : i32 to vector<512x128xi32>
    %ne3A_30 = arith.cmpi ne, %sign3A_22, %ne3A : vector<512x128xi32>
    %rem3A = vector.broadcast %jit3A : i32 to vector<512x128xi32>
    %rem3A_31 = arith.remsi %iota3A, %rem3A : vector<512x128xi32>
    %ne3A_32 = arith.constant 0 : i32
    %ne3A_33 = vector.broadcast %ne3A_32 : i32 to vector<512x128xi32>
    %ne3A_34 = arith.cmpi ne, %rem3A_31, %ne3A_33 : vector<512x128xi32>
    %and3A = arith.andi %ne3A_30, %ne3A_34 : vector<512x128xi1>
    %sub3A = arith.constant 1 : i32
    %sub3A_35 = vector.broadcast %sub3A : i32 to vector<512x128xi32>
    %sub3A_36 = arith.subi %div3A_14, %sub3A_35 : vector<512x128xi32>
    %select_n3A = arith.select %and3A, %sub3A_36, %div3A_14 : vector<512x128xi1>, vector<512x128xi32>
    %convert_element_type3A_37 = arith.sitofp %select_n3A : vector<512x128xi32> to vector<512x128xf32>
    %eq3A_38 = arith.constant 32 : i32
    %eq3A_39 = vector.broadcast %eq3A_38 : i32 to vector<512x128xi32>
    %eq3A_40 = arith.cmpi eq, %iota3A, %eq3A_39 : vector<512x128xi32>
    %jit3A_41 = arith.constant 1.000000e+00 : f32
    %broadcast_in_dim3A = vector.broadcast %jit3A_41 : f32 to vector<512x128xf32>
    %select_n3A_42 = arith.select %eq3A_40, %broadcast_in_dim3A, %dot_general3A_13 : vector<512x128xi1>, vector<512x128xf32>
    %eq3A_43 = vector.broadcast %slice3A : vector<512x1xf32> to vector<512x128xf32>
    %eq3A_44 = arith.cmpf oeq, %convert_element_type3A_37, %eq3A_43 : vector<512x128xf32>
    %eq3A_45 = arith.constant 32 : i32
    %eq3A_46 = vector.broadcast %eq3A_45 : i32 to vector<512x128xi32>
    %eq3A_47 = arith.cmpi eq, %iota3A, %eq3A_46 : vector<512x128xi32>
    %or3A = arith.ori %eq3A_44, %eq3A_47 : vector<512x128xi1>
    %eq3A_48 = vector.broadcast %slice3A_8 : vector<512x1xf32> to vector<512x128xf32>
    %eq3A_49 = arith.cmpf oeq, %convert_element_type3A_37, %eq3A_48 : vector<512x128xf32>
    %eq3A_50 = arith.constant 32 : i32
    %eq3A_51 = vector.broadcast %eq3A_50 : i32 to vector<512x128xi32>
    %eq3A_52 = arith.cmpi eq, %iota3A, %eq3A_51 : vector<512x128xi32>
    %or3A_53 = arith.ori %eq3A_49, %eq3A_52 : vector<512x128xi1>
    %jit3A_54 = arith.constant 0.000000e+00 : f32
    %broadcast_in_dim3A_55 = vector.broadcast %jit3A_54 : f32 to vector<512x128xf32>
    %select_n3A_56 = arith.select %or3A, %select_n3A_42, %broadcast_in_dim3A_55 : vector<512x128xi1>, vector<512x128xf32>
    %convert_element_type3A_57 = arith.truncf %select_n3A_56 : vector<512x128xf32> to vector<512x128xbf16>
    %jit3A_58 = arith.constant 0.000000e+00 : f32
    %broadcast_in_dim3A_59 = vector.broadcast %jit3A_58 : f32 to vector<512x128xf32>
    %select_n3A_60 = arith.select %or3A_53, %select_n3A_42, %broadcast_in_dim3A_59 : vector<512x128xi1>, vector<512x128xf32>
    %convert_element_type3A_61 = arith.truncf %select_n3A_60 : vector<512x128xf32> to vector<512x128xbf16>
    %concatenate3A = tpu.concatenate %convert_element_type3A_57, %convert_element_type3A_61 in 0 : vector<512x128xbf16>, vector<512x128xbf16> -> vector<1024x128xbf16>
    %get3A_62 = arith.constant 0 : index
    %get3A_63 = arith.constant 0 : index
    %get3A_64 = vector.load %arg7[%get3A_62, %get3A_63] : memref<128x3072xbf16, #tpu.memory_space<vmem>>, vector<128x3072xbf16>
    %dot_general3A_65 = arith.constant dense<0.000000e+00> : vector<1024x3072xf32>
    %dot_general3A_66 = tpu.matmul %concatenate3A, %get3A_64, %dot_general3A_65 {dimension_numbers = #tpu.dot_dimension_numbers<[1], [0], [0], [1], [0, 0, 1, 1], [], []>, transpose_lhs_hint = false} : vector<1024x128xbf16>, vector<128x3072xbf16>, vector<1024x3072xf32> -> vector<1024x3072xf32>
    %get3A_67 = arith.constant 0 : index
    %get3A_68 = arith.constant 0 : index
    %get3A_69 = vector.load %arg9[%get3A_67, %get3A_68] : memref<3072x768xbf16, #tpu.memory_space<vmem>>, vector<3072x768xbf16>
    %dot_general3A_70 = arith.constant dense<0.000000e+00> : vector<512x3072xf32>
    %dot_general3A_71 = tpu.matmul %get3A_3, %get3A_69, %dot_general3A_70 {dimension_numbers = #tpu.dot_dimension_numbers<[1], [1], [0], [0], [0, 0, 1, 0], [], []>, transpose_lhs_hint = false} : vector<512x768xbf16>, vector<3072x768xbf16>, vector<512x3072xf32> -> vector<512x3072xf32>
    %slice3A_72 = vector.extract_strided_slice %dot_general3A_66 {offsets = [0, 0], sizes = [512, 3072], strides = [1, 1]} : vector<1024x3072xf32> to vector<512x3072xf32>
    %add3A = arith.addf %dot_general3A_71, %slice3A_72 : vector<512x3072xf32>
    %max3A = arith.constant 0.000000e+00 : f32
    %max3A_73 = vector.broadcast %max3A : f32 to vector<512x3072xf32>
    %max3A_74 = arith.maximumf %add3A, %max3A_73 : vector<512x3072xf32>
    %slice3A_75 = vector.extract_strided_slice %dot_general3A_66 {offsets = [512, 0], sizes = [512, 3072], strides = [1, 1]} : vector<1024x3072xf32> to vector<512x3072xf32>
    %add3A_76 = arith.addf %dot_general3A_71, %slice3A_75 : vector<512x3072xf32>
    %max3A_77 = arith.constant 0.000000e+00 : f32
    %max3A_78 = vector.broadcast %max3A_77 : f32 to vector<512x3072xf32>
    %max3A_79 = arith.maximumf %add3A_76, %max3A_78 : vector<512x3072xf32>
    %add3A_80 = arith.addf %max3A_74, %max3A_79 : vector<512x3072xf32>
    %convert_element_type3A_81 = arith.truncf %add3A_80 : vector<512x3072xf32> to vector<512x3072xbf16>
    %get3A_82 = arith.constant 0 : index
    %get3A_83 = arith.constant 0 : index
    %get3A_84 = vector.load %arg10[%get3A_82, %get3A_83] : memref<768x3072xbf16, #tpu.memory_space<vmem>>, vector<768x3072xbf16>
    %dot_general3A_85 = arith.constant dense<0.000000e+00> : vector<512x768xf32>
    %dot_general3A_86 = tpu.matmul %convert_element_type3A_81, %get3A_84, %dot_general3A_85 {dimension_numbers = #tpu.dot_dimension_numbers<[1], [1], [0], [0], [0, 0, 1, 0], [], []>, transpose_lhs_hint = false} : vector<512x3072xbf16>, vector<768x3072xbf16>, vector<512x768xf32> -> vector<512x768xf32>
    %get3A_87 = arith.constant 0 : index
    %get3A_88 = arith.constant 0 : index
    %get3A_89 = vector.load %arg5[%get3A_87, %get3A_88] : memref<1x768xf32, #tpu.memory_space<vmem>>, vector<1x768xf32>
    %mul3A_90 = arith.constant 2.000000e+00 : f32
    %mul3A_91 = vector.broadcast %mul3A_90 : f32 to vector<1x768xf32>
    %mul3A_92 = arith.mulf %mul3A_91, %get3A_89 : vector<1x768xf32>
    %add3A_93 = vector.broadcast %mul3A_92 : vector<1x768xf32> to vector<512x768xf32>
    %add3A_94 = arith.addf %dot_general3A_86, %add3A_93 : vector<512x768xf32>
    %mul3A_95 = vector.broadcast %slice3A_9 : vector<512x1xf32> to vector<512x768xf32>
    %mul3A_96 = arith.mulf %mul3A_95, %add3A_94 : vector<512x768xf32>
    %swap3A = arith.constant 0 : index
    %swap3A_97 = arith.constant 0 : index
    %swap3A_98 = vector.load %arg8[%swap3A, %swap3A_97] : memref<512x768xf32, #tpu.memory_space<vmem>>, vector<512x768xf32>
    tpu.vector_store %arg8[%swap3A, %swap3A_97], %mul3A_96 {strides = array<i32>} : memref<512x768xf32, #tpu.memory_space<vmem>>, vector<512x768xf32>,
    return
  }
  func.func @transform_0(%arg0: i32) -> (i32, i32) {
    %c0_i32 = arith.constant 0 : i32
    %c0_i32_0 = arith.constant 0 : i32
    return %arg0, %c0_i32 : i32, i32
  }
  func.func @transform_1(%arg0: i32) -> (i32, i32) {
    %c0_i32 = arith.constant 0 : i32
    %c0_i32_0 = arith.constant 0 : i32
    %c0_i32_1 = arith.constant 0 : i32
    return %c0_i32, %c0_i32_0 : i32, i32
  }
  func.func @transform_2(%arg0: i32) -> (i32, i32) {
    %c0_i32 = arith.constant 0 : i32
    %c0_i32_0 = arith.constant 0 : i32
    %c0_i32_1 = arith.constant 0 : i32
    return %c0_i32, %c0_i32_0 : i32, i32
  }
  func.func @transform_3(%arg0: i32) -> (i32, i32) {
    %c0_i32 = arith.constant 0 : i32
    %c0_i32_0 = arith.constant 0 : i32
    %c0_i32_1 = arith.constant 0 : i32
    return %c0_i32, %c0_i32_0 : i32, i32
  }
  func.func @transform_4(%arg0: i32) -> (i32, i32) {
    %c0_i32 = arith.constant 0 : i32
    %c0_i32_0 = arith.constant 0 : i32
    %c0_i32_1 = arith.constant 0 : i32
    return %c0_i32, %c0_i32_0 : i32, i32
  }
  func.func @transform_5(%arg0: i32) -> (i32, i32) {
    %c0_i32 = arith.constant 0 : i32
    %c0_i32_0 = arith.constant 0 : i32
    %c0_i32_1 = arith.constant 0 : i32
    return %c0_i32, %c0_i32_0 : i32, i32
  }
  func.func @transform_6(%arg0: i32) -> (i32, i32) {
    %c0_i32 = arith.constant 0 : i32
    %c0_i32_0 = arith.constant 0 : i32
    %c0_i32_1 = arith.constant 0 : i32
    return %c0_i32, %c0_i32_0 : i32, i32
  }
  func.func @transform_7(%arg0: i32) -> (i32, i32) {
    %c0_i32 = arith.constant 0 : i32
    %c0_i32_0 = arith.constant 0 : i32
    return %arg0, %c0_i32 : i32, i32
  }
}

</mosaic_0001>

<sc_bundles>
// kernel: kernel.5.cloned.1.call-start
scs
__scs_entry_jumppad:
0x0: {  	(pc) =	sbr.rel $0x88, $3  }
0x1: {  	(tag) =	ssettag $0x0;
	lr =	simm.s32 $0x1  }
0x2: {  	[smem:$0x3F98] =	sst lr;
	_ =	strace $0xD0000000  }
0x3: {  	_ = 	snop  }
0x4: {  	_ = 	snop  }
0x5: {  	_ = 	snop  }
0x6: {  	_ = 	snop  }
0x7: {  	_ = 	snop  }
__scs_overlays_trampoline_lowered:
0x8: {  	[smem:$0x3FA7] =	sst s0  }
0x9: {  	[smem:$0x3FA8] =	sst s1  }
0xa: {  	[smem:$0x3FA9] =	sst s2  }
0xb: {  	[smem:$0x3FAA] =	sst s3  }
0xc: {  	[smem:$0x3FAB] =	sst s4  }
0xd: {  	[smem:$0x3FAC] =	sst s5  }
0xe: {  	[smem:$0x3FAD] =	sst s6  }
0xf: {  	[smem:$0x3FAE] =	sst s7  }
0x10: {  	[smem:$0x3FAF] =	sst s8  }
0x11: {  	[smem:$0x3FB0] =	sst s9;
	s0 =	simm.s32 @!p0 $0x0  }
0x12: {  	s1 =	sld [smem:$0x3F96];
	s0 =	simm.s32 @p0 $0x1  }
0x13: {  	[smem:$0x3FB1] =	sst s0;
	s0 =	simm.s32 @!p1 $0x0  }
0x14: {  	s2 =	sld [smem:$0x3F95];
	s0 =	simm.s32 @p1 $0x1  }
0x15: {  	[smem:$0x3FB2] =	sst s0;
	s0 =	simm.s32 @!p2 $0x0  }
0x16: {  	s3 =	sld [smem:$0x3FDB];
	s0 =	simm.s32 @p2 $0x1  }
0x17: {  	s4 =	simm.s32 $0x1BF5;
	[smem:$0x3FB4] =	sst s0  }
0x18: {  	s0 =	sld [smem:$0x3F97];
	_ =	swait.ge [sflag:s4], $0x0  }
0x19: {  	s7 =	sld [smem:$0x3F98]  }
0x1a: {  	s8 =	sadd.s32 $0xFFFFE003, lr  }
0x1b: {  	s9 =	sadd.s32 $0xFFFFFEF7, lr;
	s5 =	simm.s32 $0xFFFFFFFF;
	p2 =	slt.u32 s8, $0xFFFFF086  }
0x1c: {  	p1 =	slt.u32 s9, $0xF7A;
	s5 =	simm.s32 @!p2 $0x0  }
0x1d: {  	s5 =	simm.s32 @p1 $0x1;
	p0 =	seq.s32 s7, s2  }
0x1e: {  	s7 =	smul.u32 @!p0 $0xF7A, s2;
	p2 =	seq.s32 @!p0 s5, $0x0  }
0x1f: {  	s9 =	smul.u32 $0xF7A, s1;
	s8 =	simm.s32 @!p0 $0x1BF5;
	p2 =	por !p2, p0  }
0x20: {  	[sflag:s8] =	ssyncset.s32 @!p0 $0xFFFFF086;
	s6 =	sadd.s32 @!p0 s3, s7;
	s7 =	simm.s32 @!p0 $0x108  }
0x21: {  	s3 =	sadd.s32 s3, s9;
	s6 =	sadd.s32 @!p0 $0x88, s6;
	s7 =	simm.s32 @p2 $0x1082  }
0x22: {  	[simem:s7], [sflag:s8] =	dma.local @!p0 [hbm:s6], $0xF7A  }
0x23: {  	s9 =	sor.u32 $0xD0000000, s2;
	s6 =	simm.s32 $0x108;
	_ =	swait.ge @!p0 [sflag:s8], $0x0  }
0x24: {  	s3 =	sadd.s32 $0x88, s3;
	s6 =	simm.s32 @!p1 $0x1082;
	[sflag:s4] =	ssyncset.s32 $0xFFFFF086  }
0x25: {  	[simem:s6], [sflag:s4] =	dma.local [hbm:s3], $0xF7A  }
0x26: {  	[smem:$0x3F98] =	sst s1;
	(tag) =	ssettag s2;
	_ =	strace s9  }
0x27: {  	s1 =	sld [smem:$0x3FA8]  }
0x28: {  	s2 =	sld [smem:$0x3FA9]  }
0x29: {  	s4 =	sld [smem:$0x3FAB]  }
0x2a: {  	p0 =	seq.s32 s5, $0x0;
	s5 =	sld [smem:$0x3FAC]  }
0x2b: {  	s6 =	sld [smem:$0x3FAD]  }
0x2c: {  	s7 =	sld [smem:$0x3FAE]  }
0x2d: {  	s3 =	simm.s32 $0x108;
	s8 =	sld [smem:$0x3FAF]  }
0x2e: {  	s3 =	simm.s32 @!p0 $0x1082;
	s9 =	sld [smem:$0x3FB0]  }
0x2f: {  	lr =	sadd.s32 s0, s3;
	s0 =	sld [smem:$0x3FA7]  }
0x30: {  	s3 =	sld [smem:$0x3FAA]  }
0x31: {  	[smem:$0x3FB3] =	sst s10  }
0x32: {  	s10 =	sld [smem:$0x3FB1];
	_ =	sdelay $0x3  }
0x33: {  	p0 =	seq.s32 s10, $0x1;
	s10 =	sld [smem:$0x3FB3];
	_ =	sdelay $0x3  }
0x34: {  	[smem:$0x3FB3] =	sst s10  }
0x35: {  	s10 =	sld [smem:$0x3FB2];
	_ =	sdelay $0x3  }
0x36: {  	p1 =	seq.s32 s10, $0x1;
	s10 =	sld [smem:$0x3FB3];
	_ =	sdelay $0x3  }
0x37: {  	[smem:$0x3FB3] =	sst s10  }
0x38: {  	s10 =	sld [smem:$0x3FB4]  }
0x39: {  	_ = 	snop;
	(pc) =	sbr.ind lr, $3  }
0x3a: {  	_ = 	snop  }
0x3b: {  	_ = 	snop  }
0x3c: {  	p2 =	seq.s32 s10, $0x1;
	s10 =	sld [smem:$0x3FB3]  }
0x3d: {  	_ =	shalt  }
0x3e: {  	_ =	shalt  }
0x3f: {  	_ =	shalt  }
0x40: {  	_ =	shalt  }
0x41: {  	_ =	shalt  }
0x42: {  	_ =	shalt  }
0x43: {  	_ =	shalt  }
0x44: {  	_ =	shalt  }
0x45: {  	_ =	shalt  }
0x46: {  	_ =	shalt  }
0x47: {  	_ =	shalt  }
0x48: {  	_ =	shalt  }
0x49: {  	_ =	shalt  }
0x4a: {  	_ =	shalt  }
0x4b: {  	_ =	shalt  }
0x4c: {  	_ =	shalt  }
0x4d: {  	_ =	shalt  }
0x4e: {  	_ =	shalt  }
0x4f: {  	_ =	shalt  }
0x50: {  	_ =	shalt  }
0x51: {  	_ =	shalt  }
0x52: {  	_ =	shalt  }
0x53: {  	_ =	shalt  }
0x54: {  	_ =	shalt  }
0x55: {  	_ =	shalt  }
0x56: {  	_ =	shalt  }
0x57: {  	_ =	shalt  }
0x58: {  	_ =	shalt  }
0x59: {  	_ =	shalt  }
0x5a: {  	_ =	shalt  }
0x5b: {  	_ =	shalt  }
0x5c: {  	_ =	shalt  }
0x5d: {  	_ =	shalt  }
0x5e: {  	_ =	shalt  }
0x5f: {  	_ =	shalt  }
0x60: {  	_ =	shalt  }
0x61: {  	_ =	shalt  }
0x62: {  	_ =	shalt  }
0x63: {  	_ =	shalt  }
0x64: {  	_ =	shalt  }
0x65: {  	_ =	shalt  }
0x66: {  	_ =	shalt  }
0x67: {  	_ =	shalt  }
0x68: {  	_ =	shalt  }
0x69: {  	_ =	shalt  }
0x6a: {  	_ =	shalt  }
0x6b: {  	_ =	shalt  }
0x6c: {  	_ =	shalt  }
0x6d: {  	_ =	shalt  }
0x6e: {  	_ =	shalt  }
0x6f: {  	_ =	shalt  }
0x70: {  	_ =	shalt  }
0x71: {  	_ =	shalt  }
0x72: {  	_ =	shalt  }
0x73: {  	_ =	shalt  }
0x74: {  	_ =	shalt  }
0x75: {  	_ =	shalt  }
0x76: {  	_ =	shalt  }
0x77: {  	_ =	shalt  }
0x78: {  	_ =	shalt  }
0x79: {  	_ =	shalt  }
0x7a: {  	_ =	shalt  }
0x7b: {  	_ =	shalt  }
0x7c: {  	_ =	shalt  }
0x7d: {  	_ =	shalt  }
0x7e: {  	_ =	shalt  }
0x7f: {  	_ =	shalt  }
0x80: {  	_ =	shalt  }
0x81: {  	_ =	shalt  }
0x82: {  	_ =	shalt  }
0x83: {  	_ =	shalt  }
0x84: {  	_ =	shalt  }
0x85: {  	_ =	shalt  }
0x86: {  	_ =	shalt  }
0x87: {  	_ =	shalt  }
.Lfunc_end0:
.L_simem_size_0:
called_computation_lowered:
.L_overlay_start_0:
0x88: {  	s2 =	sld [smem:$0x3FD9]  }
0x89: {  	s3 =	sld [smem:$0x3FFE];
	_ =	sdelay $0x1  }
0x8a: {  	s1 =	srdreg.scid  }
0x8b: {  	s0 =	sand.u32 $0x1, s1  }
0x8c: {  	s16 =	sshll.u32 s0, $0xA;
	s2 =	sadd.s32 s3, s2  }
0x8d: {  	s2 =	sadd.s32 s2, s16  }
0x8e: {  	[smem:$0x3FBF] =	sst s2  }
0x8f: {  	_ = 	snop  }
0x90: {  	(tm) =	ssettm $0x1  }
0x91: {  	s17 =	sld [smem:$0x3FFB];
	_ =	sdelay $0x3  }
0x92: {  	_ =	strace s17  }
0x93: {  	s2 =	sld [smem:$0x3FFC];
	_ =	sdelay $0x3  }
0x94: {  	_ =	strace s2  }
0x95: {  	s2 =	sld [smem:$0x3FFD];
	_ =	sdelay $0x3  }
0x96: {  	_ =	strace s2  }
0x97: {  	_ =	strace $0x8FFFFFFF  }
0x98: {  	s18 =	sld [smem:$0x3FDB];
	_ =	sdelay $0x1  }
0x99: {  	s19 =	simm.s32 $_scs_section_size  }
0x9a: {  	s4 =	simm.s32 $_size__tile_overlayer_lowered;
	s5 =	simm.s32 $_tile_overlayer_lowered  }
0x9b: {  	s22 =	simm.s32 $0x1BFF;
	s21 =	sshll.u32 s5, $0x1;
	s2 =	sadd.s32 s19, s18  }
0x9c: {  	s6 =	simm.s32 $0x0;
	s20 =	sshll.u32 s4, $0x1;
	s4 =	sadd.s32 s21, s2  }
0x9d: {  	[timem:s6], [sflag:s22] =	dma.local [hbm:s4], s20  }
0x9e: {  	_ =	swait.ge [sflag:s22], s20  }
0x9f: {  	s3 =	ssub.s32 $0x0, s20;
	[sflag:s22] =	ssyncset.done $0x0  }
0xa0: {  	[sflag:s22] =	ssyncadd.s32 s3;
	_ =	sdelay $0x1  }
0xa1: {  	s23 =	simm.s32 $0x1B8B  }
0xa2: {  	_ =	swait.ge [sflag:s23], $0x1  }
0xa3: {  	[sflag:s23] =	ssyncset.done $0x0  }
0xa4: {  	s25 =	simm.s32 $0x1B8E;
	s24 =	sld [smem:$0x3FFE];
	[sflag:s23] =	ssyncadd.s32 $0xFFFFFFFF  }
0xa5: {  	s26 =	simm.s32 $execute0_lowered;
	[smem:$0x3FD2] =	sst s25  }
0xa6: {  	s4 =	sshll.u32 s26, $0x1;
	_ =	strace $0x80000046;
	[dreg:$0x1] =	wrdreg $0xFFFFFFFF  }
0xa7: {  	s28 =	simm.s32 $_size_execute0_lowered;
	s2 =	sadd.s32 s2, s4;
	[dreg:$0x0] =	wrdreg $0x0  }
0xa8: {  	s4 =	sshll.u32 s28, $0x1;
	[dreg:$0x2] =	wrdreg s2  }
0xa9: {  	[dreg:$0x3] =	wrdreg s4  }
0xaa: {  	[dreg:$0x4] =	wrdreg $0xC0  }
0xab: {  	_ =	task [dreg:s6], $0x5FFFF  }
0xac: {  	[dreg:$0x1] =	wrdreg $0xFFFFFFFF  }
0xad: {  	[dreg:$0x0] =	wrdreg $0x60  }
0xae: {  	[dreg:$0x2] =	wrdreg s24  }
0xaf: {  	[dreg:$0x3] =	wrdreg $0x9  }
0xb0: {  	_ =	task.clear_ibuf [dreg:s6], $0x4FFFF;
	_ =	strace $0x90000046  }
0xb1: {  	s29 =	simm.s32 $0x9;
	_ =	strace $0x80000048  }
0xb2: {  	_ =	swait.ge [sflag:s29], $0x1  }
0xb3: {  	[sflag:s29] =	ssyncadd.s32 $0xFFFFFFFF  }
0xb4: {  	_ =	strace $0x90000048  }
0xb5: {  	_ =	sfence  }
0xb6: {  	s30 =	sld [smem:$0x0];
	_ =	sdelay $0x2  }
0xb7: {  	s31 =	sshll.u32 s1, $0xD;
	s1 =	sshrl.u32 s1, $0x2  }
0xb8: {  	s3 =	sand.u32 $0x4000, s31;
	s1 =	sadd.s32 s1, s30  }
0xb9: {  	s0 =	sor.u32 s3, s0;
	s1 =	sshll.u32 s1, $0x11  }
0xba: {  	s0 =	sor.u32 s1, s0  }
0xbb: {  	s0 =	sadd.s32 $0x8F2B, s0  }
0xbc: {  	[sflag:s0] =	ssyncadd.remote.s32 $0x1  }
0xbd: {  	_ =	sfence.sel $0xFFFF  }
0xbe: {  	[dreg:$0x0] =	wrdreg $0xFFFFFFFF;
	(pc) =	sbr.abs _section_cstart, $3  }
0xbf: {  	[dreg:$0x1] =	wrdreg $0xFFFFFFFF  }
0xc0: {  	_ =	task.clear_ibuf [dreg:s6], $0x2FFFF;
	_ =	strace $0x9FFFFFFF  }
0xc1: {  	(tm) =	ssettm $0x7FFFFFFF  }
tec
execute0_lowered:
.L_overlay_start_1:
0x0: {  	(tag) =	ssettag $0x1  }
0x1: {  	s3 =	rddreg [dreg:$0x0]  }
0x2: {  	s0 =	rddreg [dreg:$0x1]  }
0x3: {  	s2 =	simm.s32 $0x0;
	s4 =	srdreg.scid;
	s1 =	stileid.u32  }
0x4: {  	s9 =	simm.s32 $0x400;
	s10 =	simm.s32 $0x480;
	s11 =	simm.s32 $0x500  }
0x5: {  	[smem:$0x7FF] =	sst s2;
	s4 =	sand.u32 $0x1, s4;
	s5 =	sshll.u32 s1, $0x1  }
0x6: {  	_ =	strace $0x80000047;
	s5 =	sor.u32 s4, s5;
	s4 =	ssub.s32 $0x2, s4  }
0x7: {  	s6 =	sshll.u32 s5, $0x7;
	s5 =	sshll.u32 s5, $0x6;
	s7 =	sshrl.u32 s4, $0x1  }
0x8: {  	s6 =	sadd.s32 s6, s3;
	s8 =	sadd.s32 s5, s3;
	s7 =	ssub.s32 s4, s7  }
0x9: {  	s3 =	sadd.s32 $0x1C00, s6;
	s4 =	sadd.s32 $0x2C00, s8;
	s5 =	sadd.s32 $0x2C10, s8  }
0xa: {  	v0 =	vimm.f32 $1.000000000e+00;
	v1 =	vimm.f32 $0.0e+00;
	s6 =	sadd.s32 $0x2C20, s8;
	s7 =	smax.u32 s7, $0x1;
	s8 =	simm.s32 $0x1  }
.LBB2_1:
0xb: {  	[tilespmem:s2], [sflag:$0x1] =	stream.linear.gather [hbm4b:s3+s2], $0x400, $0x38;
	[tilespmem:$0x580] =	vst v63  }
0xc: {  	_ =	swait.ge [sflag:s8], $0x400  }
0xd: {  	[sflag:s8] =	ssyncset.done $0x0  }
0xe: {  	[sflag:s8] =	ssyncadd.s32 $0xFFFFFC00  }
0xf: {  	v2 =	vld [tilespmem:$0x0]  }
0x10: {  	v3 =	vld [tilespmem:$0x80];
	_ =	sdelay $0x1  }
0x11: {  	v4 =	vld [tilespmem:$0x100];
	_ =	sdelay $0x1  }
0x12: {  	v5 =	vld [tilespmem:$0x180]  }
0x13: {  	vm6 =	vgt.f32 v3, v2  }
0x14: {  	v6 =	vld [tilespmem:$0x200];
	v7 =	vsel vm6, v3, v2  }
0x15: {  	vm5 =	vgt.f32 v4, v7  }
0x16: {  	v8 =	vld [tilespmem:$0x280];
	v9 =	vsel vm5, v4, v7  }
0x17: {  	vm4 =	vgt.f32 v5, v9  }
0x18: {  	v10 =	vld [tilespmem:$0x300];
	v11 =	vsel vm4, v5, v9  }
0x19: {  	vm3 =	vgt.f32 v6, v11  }
0x1a: {  	v12 =	vld [tilespmem:$0x380];
	v13 =	vsel vm3, v6, v11  }
0x1b: {  	v43 =	vld [tilespmem:$0x90];
	vm2 =	vgt.f32 v8, v13  }
0x1c: {  	v14 =	vsel vm2, v8, v13  }
0x1d: {  	vm0 =	vgt.f32 v3, $-3.000000010e+38;
	vm1 =	vgt.f32 v10, v14  }
0x1e: {  	vm7 =	vmneg vm0;
	v16 =	vsel vm1, v10, v14  }
0x1f: {  	v15 =	vsel vm7, $0xFF61B1E6, v3;
	vm0 =	vgt.f32 v12, v16  }
0x20: {  	vm13 =	vgt.f32 v43, $-3.000000010e+38;
	v15 =	vsel vm6, v2, v15;
	v17 =	vsel vm0, v12, v16  }
0x21: {  	v19 =	vsel vm6, $0x3F800000, v1;
	vm8 =	vgt.f32 v4, v15;
	v2 =	vsub.f32 v2, v17  }
0x22: {  	vm7 =	vmor vm6, vm7;
	v15 =	vsel vm8, v4, v15;
	v3 =	vsub.f32 v3, v17  }
0x23: {  	v18 =	vsel vm7, $0x0, v0;
	v7 =	vsel vm5, v7, v15;
	v2 =	vmul.f32 $1.442695020e+00, v2  }
0x24: {  	vm15 =	vgt.f32 v5, v7;
	v4 =	vsub.f32 v4, v17;
	v3 =	vmul.f32 $1.442695020e+00, v3  }
0x25: {  	v38 =	vsel vm8, $0x40000000, v18;
	v7 =	vsel vm15, v5, v7;
	(erf) = vpow2.f32 v2  }
0x26: {  	v2 =	vmul.f32 $1.442695020e+00, v4;
	(erf) = vpow2.f32 v3;
	v3 =	vsub.f32 v5, v17  }
0x27: {  	v39 =	vsel vm5, $0x40000000, v19;
	v15 =	vsel vm5, v19, v38;
	v7 =	vsel vm4, v9, v7  }
0x28: {  	vm9 =	vgt.f32 v6, v7;
	(erf) = vpow2.f32 v2;
	v2 =	vmul.f32 $1.442695020e+00, v3  }
0x29: {  	v41 =	vld [tilespmem:$0x10];
	v40 =	vsel vm15, $0x40400000, v15;
	v3 =	vsub.f32 v6, v17;
	v6 =	vsel vm9, v6, v7  }
0x2a: {  	v5 =	vsel vm4, v39, v40;
	v6 =	vsel vm3, v11, v6;
	(erf) = vpow2.f32 v2  }
0x2b: {  	v2 =	vmul.f32 $1.442695020e+00, v3;
	v3 =	vsub.f32 v8, v17;
	vm10 =	vgt.f32 v8, v6  }
0x2c: {  	v4 =	vsel vm4, $0x40400000, v39;
	v5 =	vsel vm9, $0x40800000, v5;
	v6 =	vsel vm10, v8, v6  }
0x2d: {  	(erf) = vpow2.f32 v2;
	v2 =	vmul.f32 $1.442695020e+00, v3;
	v3 =	vsub.f32 v10, v17  }
0x2e: {  	vm7 =	vgt.f32 v43, v41;
	v5 =	vsel vm3, v4, v5;
	v6 =	vsel vm2, v13, v6  }
0x2f: {  	v42 =	vpop (erf);
	(erf) = vpow2.f32 v2;
	v2 =	vmul.f32 $1.442695020e+00, v3;
	v3 =	vsub.f32 v12, v17  }
0x30: {  	v4 =	vsel vm3, $0x40800000, v4;
	v5 =	vsel vm10, $0x40A00000, v5;
	vm11 =	vgt.f32 v10, v6;
	v44 =	vpop (erf)  }
0x31: {  	v9 =	vadd.f32 v44, v42;
	(erf) = vpow2.f32 v2;
	v2 =	vmul.f32 $1.442695020e+00, v3;
	v3 =	vld [tilespmem:$0x110]  }
0x32: {  	v49 =	vsel vm7, v43, v41;
	v5 =	vsel vm2, v4, v5;
	v6 =	vsel vm11, v10, v6;
	v45 =	vpop (erf)  }
0x33: {  	v46 =	vld [tilespmem:$0x190];
	v6 =	vsel vm1, v14, v6;
	v8 =	vadd.f32 v9, v45;
	(erf) = vpow2.f32 v2  }
0x34: {  	v21 =	vsel vm7, $0x3F800000, v1;
	v5 =	vsel vm11, $0x40C00000, v5;
	vm12 =	vgt.f32 v12, v6;
	v47 =	vpop (erf)  }
0x35: {  	v48 =	vld [tilespmem:$0x210];
	v6 =	vsel vm12, v12, v6;
	v2 =	vsel vm2, $0x40A00000, v4;
	v4 =	vadd.f32 v8, v47  }
0x36: {  	v6 =	vsel vm0, v16, v6;
	v5 =	vsel vm1, v2, v5;
	v50 =	vpop (erf);
	vm6 =	vgt.f32 v3, v49  }
0x37: {  	v51 =	vld [tilespmem:$0x290];
	v56 =	vsel vm1, $0x40C00000, v2;
	v4 =	vadd.f32 v4, v50;
	v52 =	vsel vm6, v3, v49  }
0x38: {  	v6 =	vsub.f32 v6, v17;
	vm1 =	vmneg vm13;
	v53 =	vpop (erf);
	vm5 =	vgt.f32 v46, v52  }
0x39: {  	v54 =	vld [tilespmem:$0x310];
	v5 =	vsel vm12, $0x40E00000, v5;
	v4 =	vadd.f32 v4, v53;
	v55 =	vsel vm5, v46, v52  }
0x3a: {  	v61 =	vsel vm1, $0xFF61B1E6, v43;
	vm14 =	vmor vm7, vm1;
	v2 =	vpop (erf);
	vm4 =	vgt.f32 v48, v55  }
0x3b: {  	v57 =	vld [tilespmem:$0x390];
	v6 =	vmul.f32 $1.442695020e+00, v6;
	v4 =	vadd.f32 v4, v2;
	v58 =	vsel vm4, v48, v55  }
0x3c: {  	v28 =	vld [tilespmem:$0x20];
	v63 =	vsel vm14, $0x0, v0;
	v23 =	vsel vm6, $0x40000000, v21;
	v59 =	vpop (erf);
	vm3 =	vgt.f32 v51, v58  }
0x3d: {  	v31 =	vld [tilespmem:$0xA0];
	(erf) = vpow2.f32 v6;
	v4 =	vadd.f32 v4, v59;
	v60 =	vsel vm3, v51, v58  }
0x3e: {  	v25 =	vsel vm5, $0x40400000, v23;
	v2 =	vsel vm0, v56, v5;
	vm2 =	vgt.f32 v54, v60  }
0x3f: {  	(erf) = vrcp.f32 v4;
	v62 =	vsel vm2, v54, v60;
	v4 =	vsel vm7, v41, v61  }
0x40: {  	v33 =	vsel vm4, $0x40800000, v25;
	vm1 =	vgt.f32 v57, v62;
	vm15 =	vgt.f32 v3, v4  }
0x41: {  	v35 =	vld [tilespmem:$0x120];
	v20 =	vsel vm1, v57, v62;
	v4 =	vsel vm15, v3, v4;
	v5 =	vsel vm15, $0x40000000, v63  }
0x42: {  	vm15 =	vgt.f32 v31, v28;
	v7 =	vsub.f32 v41, v20;
	v22 =	vsub.f32 v43, v20  }
0x43: {  	v4 =	vsel vm6, v49, v4;
	v3 =	vsub.f32 v3, v20;
	v9 =	vsub.f32 v46, v20  }
0x44: {  	v5 =	vsel vm6, v21, v5;
	v27 =	vsub.f32 v48, v20;
	v30 =	vsub.f32 v51, v20  }
0x45: {  	v36 =	vsub.f32 v54, v20;
	v41 =	vsel vm15, v31, v28;
	v63 =	vsel vm15, $0x3F800000, v1  }
0x46: {  	vm12 =	vgt.f32 v46, v4;
	vm6 =	vgt.f32 v35, v41;
	v7 =	vmul.f32 $1.442695020e+00, v7  }
0x47: {  	v5 =	vsel vm12, $0x40400000, v5;
	v10 =	vmul.f32 $1.442695020e+00, v22;
	v4 =	vsel vm12, v46, v4  }
0x48: {  	v24 =	vmul.f32 $1.442695020e+00, v3;
	v3 =	vsel vm0, $0x40E00000, v56;
	v26 =	vmul.f32 $1.442695020e+00, v9  }
0x49: {  	v32 =	vmul.f32 $1.442695020e+00, v27;
	v34 =	vmul.f32 $1.442695020e+00, v30;
	v22 =	vsub.f32 v57, v20  }
0x4a: {  	v38 =	vld [tilespmem:$0x1A0];
	v9 =	vsel vm3, $0x40A00000, v33;
	v5 =	vsel vm5, v23, v5;
	v4 =	vsel vm5, v52, v4  }
0x4b: {  	(erf) = vpow2.f32 v7;
	vm13 =	vgt.f32 v48, v4;
	v7 =	vmul.f32 $1.442695020e+00, v36  }
0x4c: {  	v42 =	vmul.f32 $1.442695020e+00, v22;
	(erf) = vpow2.f32 v10;
	v4 =	vsel vm13, v48, v4  }
0x4d: {  	v40 =	vld [tilespmem:$0x220];
	v5 =	vsel vm13, $0x40800000, v5;
	(erf) = vpow2.f32 v24;
	v15 =	vsel vm4, v55, v4  }
0x4e: {  	v29 =	vsel vm4, v25, v5;
	v24 =	vsel vm6, v35, v41;
	vm14 =	vgt.f32 v51, v15  }
0x4f: {  	v23 =	vld [tilespmem:$0x2A0];
	(erf) = vpow2.f32 v26;
	vm5 =	vgt.f32 v38, v24;
	v14 =	vsel vm14, $0x40A00000, v29  }
0x50: {  	v4 =	vpop (erf);
	v13 =	vsel vm14, v51, v15;
	v47 =	vsel vm5, v38, v24;
	vm14 =	vgt.f32 v31, $-3.000000010e+38  }
0x51: {  	v5 =	vpop (erf);
	(erf) = vpow2.f32 v32;
	v14 =	vsel vm3, v33, v14;
	v13 =	vsel vm3, v58, v13  }
0x52: {  	v46 =	vld [tilespmem:$0x320];
	vm4 =	vgt.f32 v40, v47;
	vm9 =	vmneg vm14;
	vm11 =	vgt.f32 v54, v13  }
0x53: {  	v4 =	vadd.f32 $1.000000000e+00, v4;
	v25 =	vsel vm4, v40, v47;
	v44 =	vsel vm11, $0x40C00000, v14  }
0x54: {  	v49 =	vld [tilespmem:$0x3A0];
	v12 =	vsel vm11, v54, v13;
	vm13 =	vgt.f32 v23, v25;
	v54 =	vsel vm9, $0xFF61B1E6, v31  }
0x55: {  	vm9 =	vmor vm15, vm9;
	v12 =	vsel vm2, v60, v12;
	v37 =	vpop (erf);
	(erf) = vpow2.f32 v34  }
0x56: {  	v51 =	vsel vm13, v23, v25;
	vm12 =	vgt.f32 v57, v12;
	v39 =	vpop (erf);
	(erf) = vpow2.f32 v7  }
0x57: {  	v7 =	vsel vm2, v9, v44;
	v9 =	vsel vm2, $0x40C00000, v9;
	vm2 =	vgt.f32 v46, v51  }
0x58: {  	v12 =	vsel vm12, v57, v12;
	v15 =	vadd.f32 v39, v37;
	v53 =	vsel vm2, v46, v51  }
0x59: {  	v43 =	vpop (erf);
	(erf) = vpow2.f32 v42;
	v6 =	vsel vm1, v62, v12;
	vm0 =	vgt.f32 v49, v53  }
0x5a: {  	v34 =	vld [tilespmem:$0xB0];
	v6 =	vsub.f32 v6, v20;
	v15 =	vadd.f32 v15, v43;
	v26 =	vsel vm0, v49, v53  }
0x5b: {  	v4 =	vmul.f32 v5, v4;
	v45 =	vpop (erf);
	v11 =	vsub.f32 v28, v26;
	v8 =	vsub.f32 v31, v26  }
0x5c: {  	v59 =	vsel vm9, $0x0, v0;
	v57 =	vsub.f32 v35, v26;
	v13 =	vadd.f32 v15, v45  }
0x5d: {  	v7 =	vsel vm12, $0x40E00000, v7;
	v48 =	vpop (erf);
	v10 =	vsub.f32 v38, v26;
	v62 =	vsub.f32 v40, v26  }
0x5e: {  	v6 =	vmul.f32 $1.442695020e+00, v6;
	v21 =	vsub.f32 v23, v26;
	v13 =	vadd.f32 v13, v48  }
0x5f: {  	v27 =	vsub.f32 v46, v26;
	v30 =	vsub.f32 v49, v26;
	vm8 =	vgt.f32 v34, $-3.000000010e+38;
	v50 =	vpop (erf)  }
0x60: {  	(erf) = vpow2.f32 v6;
	v12 =	vadd.f32 v13, v50;
	v13 =	vsel vm15, v28, v54  }
0x61: {  	v11 =	vmul.f32 $1.442695020e+00, v11;
	v8 =	vmul.f32 $1.442695020e+00, v8;
	v52 =	vpop (erf);
	vm10 =	vgt.f32 v35, v13  }
0x62: {  	v58 =	vmul.f32 $1.442695020e+00, v57;
	v12 =	vadd.f32 v12, v52;
	v56 =	vsel vm10, v35, v13  }
0x63: {  	v61 =	vmul.f32 $1.442695020e+00, v10;
	v20 =	vmul.f32 $1.442695020e+00, v62;
	v55 =	vpop (erf);
	v6 =	vsel vm6, v41, v56  }
0x64: {  	v10 =	vsel vm6, $0x40000000, v63;
	v12 =	vadd.f32 v12, v55;
	vm11 =	vgt.f32 v38, v6  }
0x65: {  	v32 =	vld [tilespmem:$0x30];
	v29 =	vmul.f32 $1.442695020e+00, v27;
	v33 =	vmul.f32 $1.442695020e+00, v30;
	v6 =	vsel vm11, v38, v6  }
0x66: {  	(erf) = vrcp.f32 v12;
	v60 =	vsel vm5, v24, v6;
	v6 =	vsel vm1, v9, v7  }
0x67: {  	v24 =	vmul.f32 $1.442695020e+00, v21;
	v9 =	vsel vm1, $0x40E00000, v9;
	(erf) = vpow2.f32 v11  }
0x68: {  	v11 =	vsel vm10, $0x40000000, v59;
	vm15 =	vgt.f32 v40, v60;
	(erf) = vpow2.f32 v8  }
0x69: {  	v11 =	vsel vm6, v63, v11;
	v12 =	vsel vm15, v40, v60;
	(erf) = vpow2.f32 v58  }
0x6a: {  	v11 =	vsel vm11, $0x40400000, v11;
	v12 =	vsel vm4, v47, v12;
	vm11 =	vgt.f32 v34, v32  }
0x6b: {  	v36 =	vld [tilespmem:$0x130];
	(erf) = vpow2.f32 v61;
	v11 =	vsel vm5, v10, v11;
	vm9 =	vgt.f32 v23, v12  }
0x6c: {  	v10 =	vsel vm5, $0x40400000, v10;
	v11 =	vsel vm15, $0x40800000, v11;
	v12 =	vsel vm9, v23, v12  }
0x6d: {  	v39 =	vld [tilespmem:$0x1B0];
	v42 =	vsel vm11, v34, v32;
	v12 =	vsel vm13, v25, v12;
	v11 =	vsel vm4, v10, v11  }
0x6e: {  	v10 =	vsel vm4, $0x40800000, v10;
	vm10 =	vgt.f32 v46, v12;
	v11 =	vsel vm9, $0x40A00000, v11  }
0x6f: {  	v41 =	vld [tilespmem:$0x230];
	v8 =	vpop (erf);
	(erf) = vpow2.f32 v20;
	v12 =	vsel vm10, v46, v12;
	v11 =	vsel vm13, v10, v11  }
0x70: {  	v10 =	vsel vm13, $0x40A00000, v10;
	vm13 =	vgt.f32 v36, v42;
	v7 =	vpop (erf);
	v12 =	vsel vm2, v51, v12  }
0x71: {  	v44 =	vld [tilespmem:$0x2B0];
	v45 =	vsel vm13, v36, v42;
	v11 =	vsel vm10, $0x40C00000, v11;
	v28 =	vpop (erf);
	(erf) = vpow2.f32 v24  }
0x72: {  	v48 =	vsel vm2, $0x40C00000, v10;
	vm12 =	vgt.f32 v49, v12;
	vm14 =	vgt.f32 v39, v45;
	v31 =	vpop (erf)  }
0x73: {  	v22 =	vld [tilespmem:$0x330];
	(erf) = vpow2.f32 v29;
	v47 =	vsel vm14, v39, v45;
	v18 =	vadd.f32 v31, v28  }
0x74: {  	v11 =	vsel vm2, v10, v11;
	vm2 =	vmneg vm8;
	v35 =	vpop (erf);
	vm15 =	vgt.f32 v41, v47  }
0x75: {  	v50 =	vld [tilespmem:$0x3B0];
	(erf) = vpow2.f32 v33;
	v51 =	vsel vm15, v41, v47;
	v18 =	vadd.f32 v18, v35  }
0x76: {  	v12 =	vsel vm12, v49, v12;
	v11 =	vsel vm12, $0x40E00000, v11;
	v37 =	vpop (erf);
	vm1 =	vgt.f32 v44, v51  }
0x77: {  	vm9 =	vmor vm11, vm2;
	v52 =	vsel vm1, v44, v51;
	v38 =	vadd.f32 v18, v37  }
0x78: {  	v12 =	vsel vm0, v53, v12;
	v53 =	vsel vm2, $0xFF61B1E6, v34;
	v40 =	vpop (erf);
	vm10 =	vgt.f32 v22, v52  }
0x79: {  	v54 =	vsel vm9, $0x0, v0;
	v27 =	vsel vm10, v22, v52;
	v14 =	vadd.f32 v38, v40  }
0x7a: {  	v28 =	vsel vm11, $0x3F800000, v1;
	v12 =	vsub.f32 v12, v26;
	vm5 =	vgt.f32 v50, v27;
	v43 =	vpop (erf)  }
0x7b: {  	v56 =	vsel vm13, $0x40000000, v28;
	v29 =	vsel vm5, v50, v27;
	v14 =	vadd.f32 v14, v43  }
0x7c: {  	v12 =	vmul.f32 $1.442695020e+00, v12;
	v46 =	vpop (erf);
	v55 =	vsub.f32 v32, v29;
	v16 =	vsub.f32 v34, v29  }
0x7d: {  	v57 =	vsel vm14, $0x40400000, v56;
	v13 =	vsub.f32 v36, v29;
	v14 =	vadd.f32 v14, v46  }
0x7e: {  	(erf) = vpow2.f32 v12;
	v18 =	vsub.f32 v39, v29;
	v62 =	vsub.f32 v41, v29;
	v49 =	vpop (erf)  }
0x7f: {  	v34 =	vsel vm15, $0x40800000, v57;
	v35 =	vsub.f32 v44, v29;
	v10 =	vadd.f32 v14, v49  }
0x80: {  	v43 =	vsub.f32 v50, v29;
	v15 =	vsel vm1, $0x40A00000, v34;
	v20 =	vmul.f32 $1.442695020e+00, v55  }
0x81: {  	v16 =	vmul.f32 $1.442695020e+00, v16;
	(erf) = vrcp.f32 v10;
	v10 =	vsel vm11, v32, v53  }
0x82: {  	v13 =	vmul.f32 $1.442695020e+00, v13;
	v61 =	vmul.f32 $1.442695020e+00, v18;
	vm11 =	vgt.f32 v36, v10  }
0x83: {  	v63 =	vld [tilespmem:$0xC0];
	v37 =	vmul.f32 $1.442695020e+00, v62;
	(erf) = vpow2.f32 v20;
	v10 =	vsel vm11, v36, v10  }
0x84: {  	v19 =	vmul.f32 $1.442695020e+00, v35;
	(erf) = vpow2.f32 v16;
	v10 =	vsel vm13, v42, v10  }
0x85: {  	v60 =	vld [tilespmem:$0x40];
	v12 =	vsel vm11, $0x40000000, v54;
	(erf) = vpow2.f32 v13;
	vm12 =	vgt.f32 v39, v10  }
0x86: {  	v12 =	vsel vm13, v28, v12;
	(erf) = vpow2.f32 v61;
	v10 =	vsel vm12, v39, v10  }
0x87: {  	v38 =	vld [tilespmem:$0x140];
	v12 =	vsel vm12, $0x40400000, v12;
	v39 =	vsub.f32 v22, v29;
	v10 =	vsel vm14, v45, v10  }
0x88: {  	vm12 =	vgt.f32 v63, $-3.000000010e+38;
	v12 =	vsel vm14, v56, v12;
	vm13 =	vgt.f32 v41, v10  }
0x89: {  	v12 =	vsel vm13, $0x40800000, v12;
	v58 =	vsel vm13, v41, v10;
	v10 =	vsel vm0, v48, v11  }
0x8a: {  	v40 =	vld [tilespmem:$0x1C0];
	v11 =	vsel vm0, $0x40E00000, v48;
	vm0 =	vgt.f32 v63, v60;
	v16 =	vsel vm15, v47, v58  }
0x8b: {  	v59 =	vsel vm15, v57, v12;
	v31 =	vsel vm0, v63, v60;
	vm14 =	vgt.f32 v44, v16  }
0x8c: {  	v13 =	vpop (erf);
	v17 =	vmul.f32 $1.442695020e+00, v39;
	vm3 =	vgt.f32 v38, v31;
	v36 =	vsel vm14, $0x40A00000, v59  }
0x8d: {  	v30 =	vld [tilespmem:$0x240];
	v12 =	vpop (erf);
	v16 =	vsel vm14, v44, v16;
	(erf) = vpow2.f32 v37;
	v44 =	vmul.f32 $1.442695020e+00, v43  }
0x8e: {  	v45 =	vsel vm3, v38, v31;
	v21 =	vsel vm1, v34, v36;
	v14 =	vsel vm1, v51, v16;
	v41 =	vpop (erf)  }
0x8f: {  	(erf) = vpow2.f32 v19;
	v19 =	vld [tilespmem:$0x2C0];
	vm1 =	vgt.f32 v40, v45;
	v42 =	vpop (erf);
	vm15 =	vgt.f32 v22, v14  }
0x90: {  	(erf) = vpow2.f32 v17;
	v33 =	vsel vm1, v40, v45;
	v16 =	vadd.f32 v42, v41  }
0x91: {  	v21 =	vsel vm15, $0x40C00000, v21;
	v32 =	vpop (erf);
	(erf) = vpow2.f32 v44;
	v14 =	vsel vm15, v22, v14  }
0x92: {  	vm6 =	vgt.f32 v30, v33;
	v46 =	vsel vm10, v15, v21;
	v22 =	vsel vm10, v52, v14  }
0x93: {  	v26 =	vsel vm6, v30, v33;
	v16 =	vadd.f32 v16, v32;
	vm7 =	vgt.f32 v50, v22  }
0x94: {  	v47 =	vpop (erf);
	v15 =	vsel vm10, $0x40C00000, v15;
	v32 =	vld [tilespmem:$0x340];
	vm10 =	vgt.f32 v19, v26;
	v17 =	vsel vm7, $0x40E00000, v46  }
0x95: {  	v23 =	vld [tilespmem:$0x50];
	v50 =	vsel vm7, v50, v22;
	vm7 =	vmneg vm12;
	v48 =	vadd.f32 v16, v47  }
0x96: {  	v21 =	vld [tilespmem:$0x3C0];
	v14 =	vsel vm5, v15, v17;
	v17 =	vsel vm5, v27, v50;
	v55 =	vsel vm7, $0xFF61B1E6, v63  }
0x97: {  	v42 =	vld [tilespmem:$0xD0];
	vm2 =	vmor vm0, vm7;
	v17 =	vsub.f32 v17, v29;
	v56 =	vsel vm0, v60, v55  }
0x98: {  	v34 =	vsel vm10, v19, v26;
	v62 =	vsel vm2, $0x0, v0;
	v49 =	vpop (erf);
	vm13 =	vgt.f32 v38, v56  }
0x99: {  	v16 =	vadd.f32 v48, v49;
	vm14 =	vgt.f32 v32, v34;
	v17 =	vmul.f32 $1.442695020e+00, v17  }
0x9a: {  	v15 =	vsel vm5, $0x40E00000, v15;
	v51 =	vpop (erf);
	v20 =	vsel vm13, $0x40000000, v62;
	v22 =	vsel vm14, v32, v34  }
0x9b: {  	v16 =	vadd.f32 v16, v51;
	vm15 =	vgt.f32 v21, v22;
	(erf) = vpow2.f32 v17  }
0x9c: {  	v44 =	vld [tilespmem:$0x150];
	v52 =	vpop (erf);
	v17 =	vsel vm13, v38, v56;
	vm13 =	vgt.f32 v42, v23;
	v56 =	vimm.s32 $0x0  }
0x9d: {  	v25 =	vsel vm15, v21, v22;
	v17 =	vsel vm3, v31, v17;
	v16 =	vadd.f32 v16, v52  }
0x9e: {  	v37 =	vsel vm13, v42, v23;
	v54 =	vsub.f32 v60, v25;
	v18 =	vsub.f32 v63, v25  }
0x9f: {  	v59 =	vsub.f32 v38, v25;
	vm7 =	vgt.f32 v40, v17;
	v61 =	vsub.f32 v40, v25  }
0xa0: {  	v53 =	vpop (erf);
	v63 =	vsel vm0, $0x3F800000, v1;
	v41 =	vsub.f32 v30, v25;
	v43 =	vsub.f32 v19, v25  }
0xa1: {  	v35 =	vsub.f32 v21, v25;
	vm12 =	vgt.f32 v44, v37;
	v16 =	vadd.f32 v16, v53  }
0xa2: {  	v52 =	vimm.s32 $0x0;
	v38 =	vimm.s32 $0x0;
	v17 =	vsel vm7, v40, v17  }
0xa3: {  	v20 =	vsel vm3, v63, v20;
	v57 =	vmul.f32 $1.442695020e+00, v54;
	(erf) = vrcp.f32 v16  }
0xa4: {  	v50 =	vsel vm12, v44, v37;
	v58 =	vmul.f32 $1.442695020e+00, v18;
	v24 =	vsel vm1, v45, v17  }
0xa5: {  	v27 =	vsel vm3, $0x40000000, v63;
	vm11 =	vgt.f32 v30, v24;
	(erf) = vpow2.f32 v57  }
0xa6: {  	v60 =	vmul.f32 $1.442695020e+00, v59;
	v24 =	vsel vm11, v30, v24;
	v30 =	vld [tilespmem:$0x1D0];
	(erf) = vpow2.f32 v58  }
0xa7: {  	v40 =	vmul.f32 $1.442695020e+00, v61;
	v18 =	vmul.f32 $1.442695020e+00, v41;
	v24 =	vsel vm6, v33, v24  }
0xa8: {  	v36 =	vld [tilespmem:$0x250];
	v29 =	vmul.f32 $1.442695020e+00, v43;
	vm8 =	vgt.f32 v19, v24;
	(erf) = vpow2.f32 v60  }
0xa9: {  	v45 =	vsub.f32 v32, v25;
	v49 =	vmul.f32 $1.442695020e+00, v35;
	v19 =	vsel vm8, v19, v24  }
0xaa: {  	v53 =	vsel vm7, $0x40400000, v20;
	(erf) = vpow2.f32 v40;
	v19 =	vsel vm10, v26, v19  }
0xab: {  	v58 =	vimm.s32 $0x0;
	v17 =	vpop (erf);
	vm0 =	vgt.f32 v30, v50;
	vm9 =	vgt.f32 v32, v19  }
0xac: {  	v35 =	vsel vm0, v30, v50;
	v19 =	vsel vm9, v32, v19;
	v16 =	vpop (erf);
	(erf) = vpow2.f32 v18  }
0xad: {  	v60 =	vimm.s32 $0x0;
	vm2 =	vgt.f32 v36, v35;
	v19 =	vsel vm14, v34, v19  }
0xae: {  	vm5 =	vgt.f32 v21, v19;
	v18 =	vmul.f32 $1.442695020e+00, v45;
	v46 =	vpop (erf);
	(erf) = vpow2.f32 v29  }
0xaf: {  	v32 =	vsel vm2, v36, v35;
	v38 =	vsel vm2, $0xFFFFFFFF, v38;
	v19 =	vsel vm5, v21, v19;
	v47 =	vpop (erf)  }
0xb0: {  	v29 =	vld [tilespmem:$0x2D0];
	v19 =	vsel vm15, v22, v19;
	(erf) = vpow2.f32 v18;
	v48 =	vadd.f32 v47, v46  }
0xb1: {  	v18 =	vsel vm0, $0xFFFFFFFF, v52;
	v19 =	vsub.f32 v19, v25;
	v51 =	vpop (erf);
	(erf) = vpow2.f32 v49  }
0xb2: {  	v26 =	vld [tilespmem:$0x350];
	[tilespmem:$0x1FEE0] =	vst v18;
	v18 =	vsel vm1, v27, v53;
	v27 =	vsel vm1, $0x40400000, v27;
	v24 =	vadd.f32 v48, v51  }
0xb3: {  	v54 =	vpop (erf);
	v18 =	vsel vm11, $0x40800000, v18;
	vm11 =	vgt.f32 v42, $-3.000000010e+38;
	v19 =	vmul.f32 $1.442695020e+00, v19  }
0xb4: {  	v45 =	vsel vm6, $0x40800000, v27;
	vm1 =	vmneg vm11;
	v20 =	vadd.f32 v24, v54;
	v24 =	vld [tilespmem:$0x3D0]  }
0xb5: {  	v18 =	vsel vm6, v27, v18;
	v51 =	vimm.s32 $0x0;
	vm4 =	vgt.f32 v29, v32;
	v55 =	vpop (erf)  }
0xb6: {  	v53 =	vsel vm10, $0x40A00000, v45;
	v34 =	vsel vm4, v29, v32;
	v20 =	vadd.f32 v20, v55  }
0xb7: {  	v63 =	vsel vm1, $0xFF61B1E6, v42;
	(erf) = vpow2.f32 v19;
	vm7 =	vgt.f32 v26, v34;
	v57 =	vpop (erf)  }
0xb8: {  	v18 =	vsel vm8, $0x40A00000, v18;
	v21 =	vsel vm7, v26, v34;
	v20 =	vadd.f32 v20, v57  }
0xb9: {  	[tilespmem:$0x1FF00] =	vst v38;
	v38 =	vsel vm4, $0xFFFFFFFF, v56;
	v48 =	vsel vm10, v45, v18;
	v59 =	vpop (erf);
	vm3 =	vgt.f32 v24, v21  }
0xba: {  	v56 =	vimm.s32 $0x0;
	v22 =	vsel vm3, v24, v21;
	v20 =	vadd.f32 v20, v59  }
0xbb: {  	[tilespmem:$0x1FF20] =	vst v38;
	v38 =	vsel vm7, $0xFFFFFFFF, v58;
	v62 =	vsub.f32 v23, v22;
	v28 =	vsub.f32 v42, v22  }
0xbc: {  	v25 =	vsel vm3, $0xFFFFFFFF, v60;
	v41 =	vsub.f32 v44, v22;
	v43 =	vsub.f32 v30, v22  }
0xbd: {  	[tilespmem:$0x1FF50] =	vst v25;
	v25 =	vsel vm13, v23, v63;
	v47 =	vsub.f32 v36, v22;
	v55 =	vsub.f32 v26, v22  }
0xbe: {  	v61 =	vpop (erf);
	v59 =	vsub.f32 v24, v22;
	v23 =	vsel vm14, $0x40C00000, v53;
	vm7 =	vgt.f32 v44, v25  }
0xbf: {  	v20 =	vadd.f32 v20, v61;
	v39 =	vmul.f32 $1.442695020e+00, v62;
	v40 =	vmul.f32 $1.442695020e+00, v28  }
0xc0: {  	v31 =	vld [tilespmem:$0xE0];
	v19 =	vsel vm7, v44, v25;
	v42 =	vmul.f32 $1.442695020e+00, v41;
	v44 =	vimm.s32 $0x0  }
0xc1: {  	v46 =	vmul.f32 $1.442695020e+00, v43;
	v52 =	vmul.f32 $1.442695020e+00, v47;
	v28 =	vsel vm9, $0x40C00000, v48  }
0xc2: {  	v27 =	vld [tilespmem:$0x60];
	v61 =	vmul.f32 $1.442695020e+00, v59;
	v48 =	vimm.s32 $0x0;
	v59 =	vimm.s32 $0x0  }
0xc3: {  	v19 =	vsel vm12, v37, v19;
	v28 =	vsel vm14, v53, v28;
	(erf) = vrcp.f32 v20  }
0xc4: {  	vm11 =	vgt.f32 v30, v19;
	v20 =	vmul.f32 $1.442695020e+00, v55;
	v41 =	vsel vm5, $0x40E00000, v28  }
0xc5: {  	vm5 =	vgt.f32 v31, $-3.000000010e+38;
	(erf) = vpow2.f32 v39;
	v19 =	vsel vm11, v30, v19  }
0xc6: {  	v25 =	vsel vm11, $0xFFFFFFFF, v44;
	(erf) = vpow2.f32 v40;
	v49 =	vsel vm0, v50, v19  }
0xc7: {  	vm11 =	vgt.f32 v31, v27;
	v50 =	vsub.f32 v29, v22;
	vm0 =	vgt.f32 v36, v49  }
0xc8: {  	[tilespmem:$0x1FEC0] =	vst v38;
	(erf) = vpow2.f32 v42;
	v19 =	vsel vm0, $0xFFFFFFFF, v51;
	v54 =	vsel vm0, v36, v49  }
0xc9: {  	v44 =	vimm.s32 $0x0;
	[tilespmem:$0x1FED0] =	vst v25;
	v40 =	vimm.s32 $0x0;
	v42 =	vld [tilespmem:$0x1FEC0];
	v25 =	vsel vm2, v35, v54  }
0xca: {  	v33 =	vld [tilespmem:$0x160];
	(erf) = vpow2.f32 v46;
	v30 =	vmul.f32 $1.442695020e+00, v50;
	vm6 =	vgt.f32 v29, v25  }
0xcb: {  	v36 =	vsel vm11, v31, v27;
	v46 =	vimm.s32 $0x0;
	[tilespmem:$0x1FEF0] =	vst v19;
	v19 =	vpop (erf);
	v25 =	vsel vm6, v29, v25  }
0xcc: {  	v51 =	vsel vm13, $0x3F800000, v1;
	v25 =	vsel vm4, v32, v25;
	v18 =	vpop (erf);
	(erf) = vpow2.f32 v52  }
0xcd: {  	vm0 =	vmneg vm5;
	v35 =	vsel vm6, $0xFFFFFFFF, v56;
	vm6 =	vgt.f32 v26, v25  }
0xce: {  	vm4 =	vnez.u8 v42;
	v57 =	vpop (erf);
	(erf) = vpow2.f32 v30;
	v30 =	vld [tilespmem:$0x1E0];
	v25 =	vsel vm6, v26, v25  }
0xcf: {  	vm9 =	vgt.f32 v33, v36;
	v54 =	vimm.s32 $0x0;
	v58 =	vpop (erf);
	v25 =	vsel vm4, v34, v25  }
0xd0: {  	v38 =	vsel vm9, v33, v36;
	[tilespmem:$0x1FF10] =	vst v35;
	v35 =	vld [tilespmem:$0x260];
	v60 =	vadd.f32 v58, v57;
	vm10 =	vgt.f32 v24, v25  }
0xd1: {  	v56 =	vsel vm0, $0xFF61B1E6, v31;
	(erf) = vpow2.f32 v20;
	v62 =	vpop (erf);
	v24 =	vsel vm10, v24, v25  }
0xd2: {  	v37 =	vld [tilespmem:$0x2E0];
	v42 =	vimm.s32 $0x0;
	v29 =	vadd.f32 v60, v62;
	v24 =	vsel vm3, v21, v24  }
0xd3: {  	(erf) = vpow2.f32 v61;
	v63 =	vpop (erf);
	vm8 =	vgt.f32 v30, v38;
	v22 =	vsub.f32 v24, v22  }
0xd4: {  	v40 =	vsel vm6, $0xFFFFFFFF, v40;
	v39 =	vsel vm8, v30, v38;
	v20 =	vadd.f32 v29, v63  }
0xd5: {  	v32 =	vld [tilespmem:$0x360];
	v21 =	vsel vm15, $0x40E00000, v23;
	vm6 =	vgt.f32 v35, v39;
	v22 =	vmul.f32 $1.442695020e+00, v22;
	v43 =	vpop (erf)  }
0xd6: {  	v63 =	vsel vm12, $0x40000000, v51;
	v34 =	vsel vm6, v35, v39;
	v28 =	vadd.f32 v20, v43  }
0xd7: {  	v29 =	vld [tilespmem:$0x3E0];
	v20 =	vsel vm10, $0xFFFFFFFF, v44;
	vm14 =	vgt.f32 v37, v34;
	(erf) = vpow2.f32 v22  }
0xd8: {  	v45 =	vpop (erf);
	v44 =	vimm.s32 $0x0;
	[tilespmem:$0x1FF40] =	vst v20;
	v20 =	vsel vm15, v23, v41;
	v26 =	vsel vm14, v37, v34  }
0xd9: {  	[tilespmem:$0x1FF30] =	vst v40;
	vm2 =	vmmov vm14;
	v40 =	vsel vm14, $0xFFFFFFFF, v46;
	v25 =	vadd.f32 v28, v45  }
0xda: {  	v47 =	vpop (erf);
	vm15 =	vmor vm13, vm1;
	v41 =	vimm.s32 $0x0;
	vm3 =	vgt.f32 v32, v26  }
0xdb: {  	v49 =	vsel vm15, $0x0, v0;
	v24 =	vsel vm3, v32, v26;
	v23 =	vadd.f32 v25, v47  }
0xdc: {  	v50 =	vpop (erf);
	v28 =	vsel vm3, $0xFFFFFFFF, v48;
	vm1 =	vgt.f32 v29, v24;
	v25 =	vsel vm7, $0x40000000, v49  }
0xdd: {  	[tilespmem:$0x1FFB0] =	vst v40;
	v47 =	vimm.s32 $0x0;
	v40 =	vsel vm1, v29, v24;
	v23 =	vadd.f32 v23, v50  }
0xde: {  	v48 =	vld [tilespmem:$0x1FED0];
	v41 =	vsel vm1, $0xFFFFFFFF, v41;
	v52 =	vsub.f32 v27, v40;
	v53 =	vsub.f32 v31, v40  }
0xdf: {  	v60 =	vsel vm12, v51, v25;
	v57 =	vsub.f32 v33, v40;
	v62 =	vsub.f32 v30, v40  }
0xe0: {  	v27 =	vsel vm11, v27, v56;
	v46 =	vsub.f32 v35, v40;
	v50 =	vsub.f32 v37, v40  }
0xe1: {  	vm10 =	vgt.f32 v33, v27;
	(erf) = vrcp.f32 v23;
	v55 =	vmul.f32 $1.442695020e+00, v52  }
0xe2: {  	v23 =	vsel vm0, $0xFFFFFFFF, v54;
	v22 =	vmul.f32 $1.442695020e+00, v53;
	v58 =	vmul.f32 $1.442695020e+00, v57  }
0xe3: {  	v61 =	vsel vm10, v33, v27;
	v45 =	vmul.f32 $1.442695020e+00, v62;
	vm14 =	vnez.u8 v48  }
0xe4: {  	v27 =	vmul.f32 $1.442695020e+00, v46;
	v52 =	vsub.f32 v32, v40;
	v53 =	vimm.s32 $0x0;
	v54 =	vld [tilespmem:$0x1FEE0]  }
0xe5: {  	v62 =	vld [tilespmem:$0x1FEF0];
	v48 =	vimm.s32 $0x0;
	[tilespmem:$0x1FF60] =	vst v23;
	v23 =	vsel vm10, $0xFFFFFFFF, v59;
	v25 =	vsel vm9, v36, v61  }
0xe6: {  	v46 =	vld [tilespmem:$0x1FF00];
	v59 =	vsub.f32 v29, v40;
	(erf) = vpow2.f32 v55;
	vm13 =	vgt.f32 v30, v25  }
0xe7: {  	v31 =	vld [tilespmem:$0x70];
	v57 =	vmul.f32 $1.442695020e+00, v52;
	(erf) = vpow2.f32 v22;
	v33 =	vsel vm13, $0xFFFFFFFF, v47  }
0xe8: {  	v49 =	vsel vm13, v30, v25;
	v30 =	vld [tilespmem:$0xF0];
	v25 =	vmul.f32 $1.442695020e+00, v50;
	(erf) = vpow2.f32 v58  }
0xe9: {  	[tilespmem:$0x1FF80] =	vst v33;
	v33 =	vsel vm14, $0x40400000, v60;
	v51 =	vsel vm8, v38, v49;
	v60 =	vmul.f32 $1.442695020e+00, v59  }
0xea: {  	[tilespmem:$0x1FFF0] =	vst v41;
	v41 =	vld [tilespmem:$0x170];
	(erf) = vpow2.f32 v45;
	vm15 =	vgt.f32 v35, v51;
	vm0 =	vnez.u8 v54  }
0xeb: {  	vm13 =	vnez.u8 v62;
	vm5 =	vnez.u8 v46;
	v22 =	vsel vm15, $0xFFFFFFFF, v53  }
0xec: {  	[tilespmem:$0x1FFD0] =	vst v28;
	v33 =	vsel vm0, v63, v33;
	v35 =	vsel vm15, v35, v51;
	v28 =	vsel vm0, $0x40400000, v63  }
0xed: {  	v36 =	vld [tilespmem:$0x1F0];
	[tilespmem:$0x1FF70] =	vst v23;
	v23 =	vpop (erf);
	vm0 =	vmmov vm4;
	v55 =	vsel vm6, v39, v35;
	vm15 =	vgt.f32 v30, v31  }
0xee: {  	v51 =	vld [tilespmem:$0x1FF10];
	[tilespmem:$0x1FF90] =	vst v22;
	vm10 =	vgt.f32 v37, v55;
	v22 =	vpop (erf);
	(erf) = vpow2.f32 v27;
	v38 =	vsel vm15, v30, v31  }
0xef: {  	v42 =	vsel vm10, $0xFFFFFFFF, v42;
	v27 =	vsel vm10, v37, v55;
	vm12 =	vgt.f32 v41, v38  }
0xf0: {  	v53 =	vld [tilespmem:$0x1FF20];
	[tilespmem:$0x1FFA0] =	vst v42;
	v27 =	vsel vm2, v34, v27;
	v56 =	vpop (erf);
	(erf) = vpow2.f32 v25;
	v42 =	vsel vm12, v41, v38  }
0xf1: {  	v37 =	vld [tilespmem:$0x270];
	v25 =	vsel vm13, $0x40800000, v33;
	vm14 =	vgt.f32 v32, v27;
	v58 =	vpop (erf);
	(erf) = vpow2.f32 v57  }
0xf2: {  	vm10 =	vgt.f32 v36, v42;
	v44 =	vsel vm14, $0xFFFFFFFF, v44;
	v27 =	vsel vm14, v32, v27  }
0xf3: {  	v25 =	vsel vm5, v28, v25;
	v28 =	vsel vm5, $0x40800000, v28;
	vm5 =	vnez.u8 v51  }
0xf4: {  	v39 =	vld [tilespmem:$0x2F0];
	v35 =	vadd.f32 v58, v56;
	v61 =	vpop (erf);
	(erf) = vpow2.f32 v60;
	v43 =	vsel vm10, v36, v42  }
0xf5: {  	v26 =	vsel vm3, v26, v27;
	v25 =	vsel vm5, $0x40A00000, v25;
	vm5 =	vnez.u8 v53;
	v56 =	vld [tilespmem:$0x1FF30]  }
0xf6: {  	vm13 =	vgt.f32 v37, v43;
	vm7 =	vgt.f32 v29, v26;
	v34 =	vadd.f32 v35, v61  }
0xf7: {  	v63 =	vpop (erf);
	v25 =	vsel vm5, v28, v25;
	v54 =	vsel vm5, $0x40A00000, v28;
	v35 =	vld [tilespmem:$0x370];
	v26 =	vsel vm7, v29, v26  }
0xf8: {  	v32 =	vsel vm7, $0xFFFFFFFF, v48;
	v48 =	vld [tilespmem:$0x1FF50];
	v24 =	vsel vm1, v24, v26;
	v45 =	vadd.f32 v34, v63  }
0xf9: {  	v34 =	vsel vm13, v37, v43;
	v24 =	vsub.f32 v24, v40;
	v63 =	vsel vm0, $0x40C00000, v54;
	v47 =	vpop (erf)  }
0xfa: {  	v33 =	vld [tilespmem:$0x3F0];
	vm14 =	vgt.f32 v39, v34;
	vm5 =	vnez.u8 v56;
	v27 =	vadd.f32 v45, v47  }
0xfb: {  	[tilespmem:$0x1FFE0] =	vst v32;
	v32 =	vsel vm14, v39, v34;
	v25 =	vsel vm5, $0x40C00000, v25;
	vm5 =	vgt.f32 v30, $-3.000000010e+38  }
0xfc: {  	v24 =	vmul.f32 $1.442695020e+00, v24;
	v49 =	vpop (erf);
	vm7 =	vgt.f32 v35, v32;
	vm1 =	vmneg vm5  }
0xfd: {  	v25 =	vsel vm4, v54, v25;
	vm0 =	vnez.u8 v48;
	v50 =	vadd.f32 v27, v49  }
0xfe: {  	v45 =	vld [tilespmem:$0x1FF40];
	v29 =	vsel vm7, v35, v32;
	(erf) = vpow2.f32 v24;
	v60 =	vsel vm1, $0xFF61B1E6, v30  }
0xff: {  	v52 =	vpop (erf);
	vm1 =	vmor vm15, vm1;
	vm2 =	vgt.f32 v33, v29;
	v28 =	vsel vm15, v31, v60  }
0x100: {  	v48 =	vsel vm1, $0x0, v0;
	v26 =	vadd.f32 v50, v52;
	v40 =	vsel vm2, v33, v29  }
0x101: {  	vm4 =	vgt.f32 v41, v28;
	v57 =	vsub.f32 v31, v40;
	v58 =	vsub.f32 v30, v40  }
0x102: {  	[tilespmem:$0x1FFC0] =	vst v44;
	v61 =	vsub.f32 v41, v40;
	v41 =	vsel vm4, v41, v28;
	v44 =	vsub.f32 v36, v40  }
0x103: {  	v55 =	vpop (erf);
	vm5 =	vnez.u8 v45;
	v47 =	vsub.f32 v37, v40;
	v51 =	vsub.f32 v39, v40  }
0x104: {  	v49 =	vld [tilespmem:$0x1FF60];
	v54 =	vsub.f32 v35, v40;
	v26 =	vadd.f32 v26, v55;
	v25 =	vsel vm5, $0x40E00000, v25  }
0x105: {  	v27 =	vsel vm12, v38, v41;
	v59 =	vmul.f32 $1.442695020e+00, v57;
	v24 =	vmul.f32 $1.442695020e+00, v58  }
0x106: {  	v56 =	vld [tilespmem:$0x1FF70];
	v55 =	vsel vm11, $0x3F800000, v1;
	v62 =	vmul.f32 $1.442695020e+00, v61;
	(erf) = vrcp.f32 v26  }
0x107: {  	v46 =	vmul.f32 $1.442695020e+00, v44;
	vm3 =	vgt.f32 v36, v27;
	(erf) = vpow2.f32 v59  }
0x108: {  	v25 =	vsel vm0, v63, v25;
	v50 =	vmul.f32 $1.442695020e+00, v47;
	(erf) = vpow2.f32 v24  }
0x109: {  	vm5 =	vnez.u8 v49;
	v53 =	vmul.f32 $1.442695020e+00, v51;
	v28 =	vmul.f32 $1.442695020e+00, v54  }
0x10a: {  	vm5 =	vmor vm11, vm5;
	v27 =	vsel vm3, v36, v27;
	(erf) = vpow2.f32 v62  }
0x10b: {  	v52 =	vsel vm5, $0x0, v0;
	v27 =	vsel vm10, v42, v27;
	vm5 =	vnez.u8 v56  }
0x10c: {  	v30 =	vsel vm5, $0x40000000, v52;
	vm5 =	vgt.f32 v37, v27;
	(erf) = vpow2.f32 v46  }
0x10d: {  	v60 =	vsel vm9, $0x40000000, v55;
	v51 =	vadd.f32 $1.000000000e+00, v19;
	v27 =	vsel vm5, v37, v27;
	v62 =	vld [tilespmem:$0x1FF80]  }
0x10e: {  	v54 =	vadd.f32 $1.000000000e+00, v23;
	v31 =	vpop (erf);
	v27 =	vsel vm13, v43, v27;
	(erf) = vpow2.f32 v50  }
0x10f: {  	v26 =	vsel vm0, $0x40E00000, v63;
	v59 =	vsub.f32 v33, v40;
	vm11 =	vgt.f32 v39, v27;
	v36 =	vpop (erf)  }
0x110: {  	v38 =	vsel vm8, $0x40400000, v60;
	v27 =	vsel vm11, v39, v27;
	(erf) = vpow2.f32 v53;
	v57 =	vpop (erf)  }
0x111: {  	v41 =	vld [tilespmem:$0x1FF90];
	v30 =	vsel vm9, v55, v30;
	v37 =	vmul.f32 $1.442695020e+00, v59;
	v27 =	vsel vm14, v34, v27;
	v58 =	vpop (erf)  }
0x112: {  	vm9 =	vnez.u8 v62;
	(erf) = vpow2.f32 v28;
	v24 =	vadd.f32 v58, v57  }
0x113: {  	v44 =	vsel vm6, $0x40800000, v38;
	v30 =	vsel vm9, $0x40400000, v30;
	vm9 =	vgt.f32 v35, v27;
	v61 =	vpop (erf)  }
0x114: {  	[tilespmem:$0x400] =	vst v3;
	v52 =	vld [tilespmem:$0x1FFC0];
	v3 =	vsel vm9, v35, v27;
	(erf) = vpow2.f32 v37;
	v24 =	vadd.f32 v24, v61  }
0x115: {  	[tilespmem:$0x480] =	vst v2;
	v43 =	vadd.f32 $1.000000000e+00, v13;
	v2 =	vsel vm7, v32, v3;
	v3 =	vadd.f32 $1.000000000e+00, v8;
	v63 =	vpop (erf)  }
0x116: {  	vm0 =	vnez.u8 v41;
	v46 =	vadd.f32 $1.000000000e+00, v17;
	v34 =	vadd.f32 v24, v63  }
0x117: {  	[tilespmem:$0x500] =	vst v4;
	v45 =	vld [tilespmem:$0x1FFA0];
	v37 =	vsel vm8, v60, v30;
	vm8 =	vgt.f32 v33, v2;
	v3 =	vmul.f32 v7, v3;
	v35 =	vpop (erf)  }
0x118: {  	[tilespmem:$0x410] =	vst v9;
	v47 =	vld [tilespmem:$0x1FFB0];
	v50 =	vsel vm4, $0x40000000, v48;
	v2 =	vsel vm8, v33, v2;
	v39 =	vadd.f32 v34, v35  }
0x119: {  	[tilespmem:$0x490] =	vst v6;
	v6 =	vmul.f32 v12, v43;
	vm4 =	vnez.u8 v52;
	v2 =	vsel vm2, v29, v2;
	v42 =	vpop (erf)  }
0x11a: {  	[tilespmem:$0x420] =	vst v11;
	v5 =	vsel vm0, $0x40800000, v37;
	v2 =	vsub.f32 v2, v40;
	v4 =	vadd.f32 v39, v42  }
0x11b: {  	v55 =	vld [tilespmem:$0x1FFD0];
	v53 =	vmul.f32 v18, v51;
	v58 =	vadd.f32 $1.000000000e+00, v31;
	v5 =	vsel vm6, v38, v5;
	[tilespmem:$0x510] =	vst v3;
	v3 =	vpop (erf)  }
0x11c: {  	[tilespmem:$0x4A0] =	vst v10;
	vm6 =	vnez.u8 v45;
	v2 =	vmul.f32 $1.442695020e+00, v2;
	v3 =	vadd.f32 v4, v3  }
0x11d: {  	[tilespmem:$0x430] =	vst v15;
	v57 =	vmul.f32 v22, v54;
	v5 =	vsel vm6, $0x40A00000, v5;
	vm6 =	vnez.u8 v47;
	v49 =	vpop (erf)  }
0x11e: {  	v56 =	vld [tilespmem:$0x1FFE0];
	[tilespmem:$0x520] =	vst v6;
	v6 =	vmul.f32 v36, v58;
	(erf) = vpow2.f32 v2;
	v3 =	vadd.f32 v3, v49  }
0x11f: {  	[tilespmem:$0x4B0] =	vst v14;
	v59 =	vld [tilespmem:$0x1FFF0];
	v5 =	vsel vm6, v44, v5;
	v7 =	vsel vm6, $0x40A00000, v44;
	v2 =	vsel vm15, $0x3F800000, v1  }
0x120: {  	[tilespmem:$0x440] =	vst v21;
	vm6 =	vnez.u8 v55;
	(erf) = vrcp.f32 v3;
	v3 =	vsel vm12, v2, v50  }
0x121: {  	[tilespmem:$0x4C0] =	vst v20;
	v5 =	vsel vm4, $0x40C00000, v5;
	v2 =	vsel vm12, $0x40000000, v2;
	v3 =	vsel vm3, $0x40400000, v3  }
0x122: {  	[tilespmem:$0x4D0] =	vst v25;
	v5 =	vsel vm6, v7, v5;
	v7 =	vsel vm6, $0x40C00000, v7;
	v3 =	vsel vm10, v2, v3  }
0x123: {  	[tilespmem:$0x450] =	vst v26;
	v4 =	vmul.f32 v16, v46;
	v2 =	vsel vm10, $0x40400000, v2;
	v3 =	vsel vm5, $0x40800000, v3  }
0x124: {  	[tilespmem:$0x540] =	vst v53;
	vm15 =	vnez.u8 v59;
	vm12 =	vnez.u8 v56;
	v3 =	vsel vm13, v2, v3  }
0x125: {  	[tilespmem:$0x530] =	vst v4;
	v4 =	vsel vm12, $0x40E00000, v5;
	v2 =	vsel vm13, $0x40800000, v2;
	v3 =	vsel vm11, $0x40A00000, v3  }
0x126: {  	[tilespmem:$0x550] =	vst v57;
	v4 =	vsel vm15, v7, v4;
	v3 =	vsel vm14, v2, v3  }
0x127: {  	[tilespmem:$0x560] =	vst v6;
	v7 =	vsel vm15, $0x40E00000, v7;
	v60 =	vpop (erf);
	v2 =	vsel vm14, $0x40A00000, v2;
	v3 =	vsel vm9, $0x40C00000, v3  }
0x128: {  	[tilespmem:$0x460] =	vst v7;
	v61 =	vadd.f32 $1.000000000e+00, v60;
	v3 =	vsel vm7, v2, v3;
	v2 =	vsel vm7, $0x40C00000, v2  }
0x129: {  	[tilespmem:$0x4E0] =	vst v4;
	v3 =	vsel vm8, $0x40E00000, v3;
	v62 =	vsel vm2, $0x40E00000, v2;
	v63 =	vpop (erf)  }
0x12a: {  	v2 =	vsel vm2, v2, v3;
	v3 =	vmul.f32 v63, v61;
	[tilespmem:$0x470] =	vst v62  }
0x12b: {  	[tilespmem:$0x4F0] =	vst v2  }
0x12c: {  	[tilespmem:$0x570] =	vst v3  }
0x12d: {  	[hbm4b:s4+s2] =	stream.linear.scatter [tilespmem:s9], [sflag:$0x1], $0x80, $0x38;
	[tilespmem:$0x580] =	vst v63  }
0x12e: {  	_ =	swait.ge [sflag:s8], $0x80  }
0x12f: {  	[sflag:s8] =	ssyncset.done $0x0  }
0x130: {  	[sflag:s8] =	ssyncadd.s32 $0xFFFFFF80  }
0x131: {  	[hbm4b:s5+s2] =	stream.linear.scatter [tilespmem:s10], [sflag:$0x1], $0x80, $0x38;
	[tilespmem:$0x580] =	vst v63  }
0x132: {  	_ =	swait.ge [sflag:s8], $0x80  }
0x133: {  	p0 =	sne.s32 s7, $0x1;
	[sflag:s8] =	ssyncset.done $0x0  }
.Ltmp0:
0x134: {  	[sflag:s8] =	ssyncadd.s32 $0xFFFFFF80;
	(pc) =	sbr.rel @p0 .LBB2_1-.Ltmp0, $4  }
0x135: {  	[hbm4b:s6+s2] =	stream.linear.scatter [tilespmem:s11], [sflag:$0x1], $0x80, $0x38;
	[tilespmem:$0x580] =	vst v63  }
0x136: {  	_ =	swait.ge [sflag:s8], $0x80  }
0x137: {  	[sflag:s8] =	ssyncset.done $0x0  }
0x138: {  	s7 =	sadd.s32 $0xFFFFFFFF, s7;
	[sflag:s8] =	ssyncadd.s32 $0xFFFFFF80  }
0x139: {  	_ =	sfence.sel $0x180000  }
0x13a: {  	[bflag:$0x0] =	sbarrier.arrive $0xFFFF  }
0x13b: {  	p0 =	sne.s32 s1, $0x0;
	_ =	strace $0x90000047  }
0x13c: {  	s0 =	sadd.s32 @!p0 $0x100000, s0;
	[bflag:$0x2] =	sbarrier.arrive $0xFFFF  }
0x13d: {  	[sflag:s0] =	ssyncadd.tile.s32 @!p0 $0x1;
	_ =	shalt  }
.Lfunc_end2:
_tile_overlayer_lowered:
.L_overlay_start_2:
0x13e: {  	(tag) =	ssettag $0x2  }
0x13f: {  	s0 =	rddreg [dreg:$0x0];
	s2 =	stileid.u32  }
0x140: {  	s1 =	rddreg [dreg:$0x1];
	p0 =	sne.s32 s2, $0x0  }
0x141: {  	s3 =	rddreg [dreg:$0x2];
	[bflag:$0x3] =	sbarrier.arrive $0xFFFF;
	s2 =	simm.s32 @!p0 $0x1C01  }
0x142: {  	[timem:s3], [sflag:s2] =	dma.local @!p0 [hbm:s0], s1  }
0x143: {  	s0 =	simm.s32 @!p0 $0x1  }
0x144: {  	_ =	swait.ge @!p0 [sflag:s0], s1  }
0x145: {  	s1 =	ssub.s32 @!p0 $0x0, s1;
	[sflag:s0] =	ssyncset.done @!p0 $0x0  }
0x146: {  	[sflag:s0] =	ssyncadd.s32 @!p0 s1  }
0x147: {  	[bflag:$0x3] =	sbarrier.arrive $0xFFFF  }
0x148: {  	_ =	shalt  }

</sc_bundles>
